<compile_context>
chip_gen: v7x
topology: tpu7x:2x2x1
jax: 0.10.2.dev20260603
libtpu: 0.0.44.dev20260713+nightly
codegen_flags: <defaults>
</compile_context>

<pallas_src>
import functools

import jax
import jax.numpy as jnp
from jax import lax
from jax.experimental import pallas as pl
from jax.experimental.pallas import tpu as pltpu
from jax.experimental.pallas import tpu_sc as plsc

_NUM_TAGS = 3
_NUM_CLASSES = 8
_TAG_START = 46
_TASK_START = 49
_VALUE_BASE = 22
_LOGIT_SCALE = 12.0


def _body(tok_ref, tbl_ref, out_ref):
    t = tok_ref[...]
    Bb, S = t.shape
    pos = jax.lax.broadcasted_iota(jnp.int32, (Bb, S), 1)
    is_tag = (t >= _TAG_START) & (t < _TAG_START + _NUM_TAGS)
    key = jnp.where(is_tag, pos * 4 + (t - _TAG_START), -1)
    k = 1
    while k < S:
        shifted = jnp.concatenate(
            [jnp.full((Bb, k), -1, jnp.int32), key[:, : S - k]], axis=1
        )
        key = jnp.maximum(key, shifted)
        k *= 2
    nxt = jnp.concatenate([t[:, 1:], jnp.zeros((Bb, 1), jnp.int32)], axis=1)
    qt = jnp.clip(t[:, S - 1 : S] - _TAG_START, 0, _NUM_TAGS - 1)
    task = jnp.clip(t[:, 1:2] - _TASK_START, 0, 3)
    base = (key >= 0) & ((key & 3) == qt)
    v22 = nxt - _VALUE_BASE
    d = nxt + (2 - t * 8)
    m = base & (d >= 0) & (d < 8) & (t >= 3) & (t <= 5)
    pv = jnp.where(m, v22, 24)
    idxs = []
    for flip in (0, 8, 16):
        pf = pv ^ flip
        half = jnp.minimum(pf[:, : S // 2], pf[:, S // 2 :])
        mv = jnp.min(half, axis=1, keepdims=True)
        idxs.append(jnp.where(mv < 8, mv, 0))
    a, b, c = idxs
    affine = (a + 2 * b + 3 * c) & 7
    gate = (a * (b + 1) + c * ((a ^ b) + 1)) & 7
    sel = jnp.where(task == 0, a, jnp.where(task == 1, affine, gate))
    cls = jax.lax.broadcasted_iota(jnp.int32, (Bb, _NUM_CLASSES), 1)
    onehot_logits = jnp.where(cls == sel, _LOGIT_SCALE, 0.0).astype(jnp.float32)
    flat = a * 64 + b * 8 + c
    f_iota = jax.lax.broadcasted_iota(jnp.int32, (Bb, 512), 1)
    oh = (f_iota == flat).astype(jnp.float32)
    look = jnp.dot(oh, tbl_ref[...], preferred_element_type=jnp.float32)
    out_ref[...] = jnp.where(task == 3, look, onehot_logits)


def _sc_make(Bs, S, row_base):
    info = plsc.get_sparse_core_info()
    NC, NS, L = info.num_cores, info.num_subcores, info.num_lanes
    NW = NC * NS
    rpw = Bs // NW
    G = rpw // L
    mesh = plsc.VectorSubcoreMesh(core_axis_name="c", subcore_axis_name="s")

    @functools.partial(
        pl.kernel,
        mesh=mesh,
        compiler_params=pltpu.CompilerParams(needs_layout_passes=False),
        out_type=jax.ShapeDtypeStruct((Bs, _NUM_CLASSES), jnp.float32),
        scratch_types=[
            pltpu.VMEM((L, S), jnp.int32),
            pltpu.VMEM((4096,), jnp.float32),
            pltpu.VMEM((L, _NUM_CLASSES), jnp.float32),
        ],
    )
    def sc_kernel(tok_hbm, tbl_hbm, out_hbm, buf, tblv, stage):
        wid = lax.axis_index("s") * NC + lax.axis_index("c")
        pltpu.sync_copy(tbl_hbm, tblv)
        row_iota = lax.iota(jnp.int32, L)

        def group_body(gi, _):
            row0 = wid * rpw + gi * L
            pltpu.sync_copy(tok_hbm.at[pl.ds(row_base + row0, L), :], buf)
            col = jnp.zeros((L,), jnp.int32)
            qraw = plsc.load_gather(buf, [row_iota, col + (S - 1)])
            qt = jnp.clip(qraw - _TAG_START, 0, _NUM_TAGS - 1)
            traw = plsc.load_gather(buf, [row_iota, col + 1])
            task = jnp.clip(traw - _TASK_START, 0, 3)
            init = (
                jnp.full((L,), -1, jnp.int32),
                jnp.zeros((L,), jnp.int32),
                jnp.full((L,), 24, jnp.int32),
                jnp.full((L,), 24, jnp.int32),
                jnp.full((L,), 24, jnp.int32),
            )

            def step(s, carry):
                latest, prv, a0, a1, a2 = carry
                g = plsc.load_gather(buf, [row_iota, col + s])
                base = latest == qt
                d = g + (2 - prv * 8)
                m = base & (d >= 0) & (d < 8) & (prv >= 3) & (prv <= 5)
                pv = jnp.where(m, g - _VALUE_BASE, 24)
                a0 = jnp.minimum(a0, pv)
                a1 = jnp.minimum(a1, pv ^ 8)
                a2 = jnp.minimum(a2, pv ^ 16)
                tg = g - _TAG_START
                latest = jnp.where((tg >= 0) & (tg < _NUM_TAGS), tg, latest)
                return (latest, g, a0, a1, a2)

            latest, prv, a0, a1, a2 = lax.fori_loop(0, S, step, init)
            a = jnp.where(a0 < 8, a0, 0)
            b = jnp.where(a1 < 8, a1, 0)
            c = jnp.where(a2 < 8, a2, 0)
            affine = (a + 2 * b + 3 * c) & 7
            gate = (a * (b + 1) + c * ((a ^ b) + 1)) & 7
            sel = jnp.where(task == 0, a, jnp.where(task == 1, affine, gate))
            flat8 = (a * 64 + b * 8 + c) * 8
            for cls in range(_NUM_CLASSES):
                look = plsc.load_gather(tblv, [flat8 + cls])
                oh = jnp.where(sel == cls, _LOGIT_SCALE, 0.0)
                res = jnp.where(task == 3, look, oh)
                plsc.store_scatter(stage, [row_iota, col + cls], res)
            pltpu.sync_copy(stage, out_hbm.at[pl.ds(row0, L), :])
            return 0

        lax.fori_loop(0, G, group_body, 0)

    return sc_kernel


def _tc_call(token_ids, tbl, B_tc, S):
    Bb = min(512, B_tc)
    return pl.pallas_call(
        _body,
        grid=(B_tc // Bb,),
        in_specs=[
            pl.BlockSpec((Bb, S), lambda i: (i, 0)),
            pl.BlockSpec((512, 8), lambda i: (0, 0)),
        ],
        out_specs=pl.BlockSpec((Bb, 8), lambda i: (i, 0)),
        out_shape=jax.ShapeDtypeStruct((B_tc, 8), jnp.float32),
    )(token_ids, tbl)


@jax.jit
def kernel(token_ids, lookup_table):
    B, S = token_ids.shape
    tbl = lookup_table.reshape(512, 8)
    B_sc = 5632 if B >= 16384 else 0
    B_tc = B - B_sc
    out_tc = _tc_call(token_ids, tbl, B_tc, S)
    if B_sc == 0:
        return out_tc
    tblf = lookup_table.reshape(4096)
    out_sc = _sc_make(B_sc, S, B_tc)(token_ids, tblf)
    return jnp.concatenate([out_tc, out_sc], axis=0)

# --- scband reference (transcript-rebuilt; emitter-appended) ---
"""Pipeline reference for scband-typed-latent-classifier-69123203662022 (READ-ONLY COPY).

The authoritative reference and input builder live on the scoring server;
editing this copy changes nothing except your own understanding.
"""

import jax, jax.numpy as jnp
import numpy as np

NUM_TAGS = 3
NUM_VALUES = 8
NUM_TASKS = 4
NUM_CLASSES = 8
TAG_START = 46
TASK_START = 49
ROLE_A = 3
ROLE_B = 4
ROLE_C = 5
A_START = 22
B_START = 30
C_START = 38
BATCH = 16384
SEQ = 256


def _latest_tag(token_ids):
    B, S = token_ids.shape
    is_tag = (token_ids >= TAG_START) & (token_ids < TAG_START + NUM_TAGS)
    pos = jnp.broadcast_to(jnp.arange(S, dtype=jnp.int32)[None, :], (B, S))
    tag_pos = jnp.where(is_tag, pos, -1)
    last = jax.lax.cummax(tag_pos, axis=1)
    clamped = jnp.clip(last, 0, S - 1)
    vals = jnp.take_along_axis(token_ids, clamped, axis=1) - TAG_START
    return jnp.where(last >= 0, vals, -1)


def _scatter_role(token_ids, latest_tag, role_token_id, value_start):
    B, S = token_ids.shape
    cur = token_ids[:, :-1]
    nxt = token_ids[:, 1:]
    tag_idx = latest_tag[:, :-1]
    is_role = cur == role_token_id
    is_value = (nxt >= value_start) & (nxt < value_start + NUM_VALUES)
    has_tag = tag_idx >= 0
    match = is_role & is_value & has_tag
    val_idx = nxt - value_start
    b_idx = jnp.broadcast_to(jnp.arange(B, dtype=jnp.int32)[:, None], cur.shape)
    flat = b_idx * (NUM_TAGS * NUM_VALUES) + tag_idx * NUM_VALUES + val_idx
    dummy = B * NUM_TAGS * NUM_VALUES
    flat = jnp.where(match, flat, dummy)
    mem = jnp.zeros(B * NUM_TAGS * NUM_VALUES + 1, dtype=jnp.float32).at[flat.reshape(-1)].set(1.0)
    return mem[:-1].reshape(B, NUM_TAGS, NUM_VALUES)


def _forward(token_ids, lookup_table):
    B = token_ids.shape[0]
    latest = _latest_tag(token_ids)
    a_mem = _scatter_role(token_ids, latest, ROLE_A, A_START)
    b_mem = _scatter_role(token_ids, latest, ROLE_B, B_START)
    c_mem = _scatter_role(token_ids, latest, ROLE_C, C_START)
    query_tag = jnp.clip(token_ids[:, -1] - TAG_START, 0, NUM_TAGS - 1)
    task_index = jnp.clip(token_ids[:, 1] - TASK_START, 0, NUM_TASKS - 1)
    bi = jnp.arange(B)
    a = a_mem[bi, query_tag]
    b = b_mem[bi, query_tag]
    c = c_mem[bi, query_tag]
    task = jax.nn.one_hot(task_index, NUM_TASKS, dtype=jnp.float32)
    a_idx = jnp.argmax(a, axis=-1)
    b_idx = jnp.argmax(b, axis=-1)
    c_idx = jnp.argmax(c, axis=-1)
    copy_idx = a_idx
    affine_idx = (a_idx + 2 * b_idx + 3 * c_idx) % NUM_CLASSES
    gate_idx = (a_idx * (b_idx + 1) + c_idx * ((a_idx ^ b_idx) + 1)) % NUM_CLASSES
    lookup_logits = lookup_table[a_idx, b_idx, c_idx]
    logit_scale = 12.0
    copy_logits = jax.nn.one_hot(copy_idx, NUM_CLASSES, dtype=jnp.float32) * logit_scale
    affine_logits = jax.nn.one_hot(affine_idx, NUM_CLASSES, dtype=jnp.float32) * logit_scale
    gate_logits = jax.nn.one_hot(gate_idx, NUM_CLASSES, dtype=jnp.float32) * logit_scale
    stacked = jnp.stack([copy_logits, affine_logits, gate_logits, lookup_logits], axis=1)
    return jnp.einsum('bt,btc->bc', task, stacked)


def setup_inputs(seed: int = 0):
    key = jax.random.key(seed)
    k1, k2 = jax.random.split(key)
    token_ids = jax.random.randint(k1, (BATCH, SEQ), 0, 53, dtype=jnp.int32)
    lookup_table = jax.random.normal(k2, (NUM_VALUES, NUM_VALUES, NUM_VALUES, NUM_CLASSES), dtype=jnp.float32) * 0.02
    return {"token_ids": token_ids, "lookup_table": lookup_table}


def reference(token_ids, lookup_table):
    return _forward(token_ids, lookup_table)

if __name__ == "__main__":
    import jax
    _d = setup_inputs()
    print(jax.jit(kernel)(*tuple(_d.values())))

</pallas_src>

<mosaic_0001>
#map = affine_map<(d0, d1) -> (0, 0)>
#map1 = affine_map<(d0, d1) -> (0)>
module attributes {stable_mosaic.version = 14 : i64} {
  func.func @sc_kernel(%arg0: i32, %arg1: i32, %arg2: memref<16384x256xi32, #tpu.memory_space<hbm>>, %arg3: memref<4096xf32, #tpu.memory_space<hbm>>, %arg4: memref<5632x8xf32, #tpu.memory_space<hbm>>, %arg5: memref<16x256xi32, #tpu.memory_space<vmem>>, %arg6: memref<4096xf32, #tpu.memory_space<vmem>>, %arg7: memref<16x8xf32, #tpu.memory_space<vmem>>) attributes {dimension_semantics = [#tpu.dimension_semantics<core_parallel>, #tpu.dimension_semantics<subcore_parallel>], iteration_bounds = array<i64: 2, 16>, scalar_prefetch = 0 : i64, scratch_operands = 3 : i64, tpu.core_type = #tpu.core_type<sc_vector_subcore>, window_params = [{transform_indices = #map}, {transform_indices = #map1}, {transform_indices = #map}]} {
    %mul3A = arith.constant 2 : i32
    %mul3A_0 = arith.muli %arg1, %mul3A : i32
    %add3A = arith.addi %mul3A_0, %arg0 : i32
    "tpu.region"() ({
      %run_scoped3A = tpu.sem_alloc : memref<!tpu.dma_semaphore, #tpu.memory_space<semaphore_mem>>
      tpu.enqueue_dma source(%arg3 : memref<4096xf32, #tpu.memory_space<hbm>>) target(%arg6 : memref<4096xf32, #tpu.memory_space<vmem>>) target_semaphore(%run_scoped3A : memref<!tpu.dma_semaphore, #tpu.memory_space<semaphore_mem>>)
      tpu.wait_dma2 semaphore(%run_scoped3A : memref<!tpu.dma_semaphore, #tpu.memory_space<semaphore_mem>>) src(%arg3 : memref<4096xf32, #tpu.memory_space<hbm>>) dst(%arg6 : memref<4096xf32, #tpu.memory_space<vmem>>)
      tpu.yield
    }) : () -> ()
    %iota3A = tpu.iota {dimensions = array<i32: 0>} : vector<16xi32>
    %scan3A = arith.constant 0 : i32
    %scan3A_1 = arith.constant 0 : i32
    %scan3A_2 = arith.constant 11 : i32
    %scan3A_3 = arith.addi %scan3A_1, %scan3A_2 : i32
    %scan3A_4 = arith.constant 1 : i32
    %scan3A_5 = scf.for %scan3A_7 = %scan3A_1 to %scan3A_3 step %scan3A_4 iter_args(%scan3A_8 = %scan3A) -> (i32)  : i32 {
      %mul3A_9 = arith.constant 176 : i32
      %mul3A_10 = arith.muli %add3A, %mul3A_9 : i32
      %mul3A_11 = arith.constant 16 : i32
      %mul3A_12 = arith.muli %scan3A_7, %mul3A_11 : i32
      %add3A_13 = arith.addi %mul3A_10, %mul3A_12 : i32
      %add3A_14 = arith.constant 10752 : i32
      %add3A_15 = arith.addi %add3A_14, %add3A_13 : i32
      "tpu.region"() ({
        %run_scoped3A = tpu.sem_alloc : memref<!tpu.dma_semaphore, #tpu.memory_space<semaphore_mem>>
        %dma_start3A = arith.constant 0 : i32
        %dma_start3A_263 = tpu.memref_slice %arg2[%add3A_15, %dma_start3A] : memref<16384x256xi32, #tpu.memory_space<hbm>> -> memref<16x256xi32, #tpu.memory_space<hbm>>
        %dma_start3A_264 = arith.constant 0 : i32
        %dma_start3A_265 = tpu.memref_slice %arg2[%add3A_15, %dma_start3A_264] : memref<16384x256xi32, #tpu.memory_space<hbm>> -> memref<16x256xi32, #tpu.memory_space<hbm>>
        tpu.enqueue_dma source(%dma_start3A_265 : memref<16x256xi32, #tpu.memory_space<hbm>>) target(%arg5 : memref<16x256xi32, #tpu.memory_space<vmem>>) target_semaphore(%run_scoped3A : memref<!tpu.dma_semaphore, #tpu.memory_space<semaphore_mem>>)
        %dma_wait3A = arith.constant 0 : i32
        %dma_wait3A_266 = tpu.memref_slice %arg2[%add3A_15, %dma_wait3A] : memref<16384x256xi32, #tpu.memory_space<hbm>> -> memref<16x256xi32, #tpu.memory_space<hbm>>
        %dma_wait3A_267 = arith.constant 0 : i32
        %dma_wait3A_268 = tpu.memref_slice %arg2[%add3A_15, %dma_wait3A_267] : memref<16384x256xi32, #tpu.memory_space<hbm>> -> memref<16x256xi32, #tpu.memory_space<hbm>>
        tpu.wait_dma2 semaphore(%run_scoped3A : memref<!tpu.dma_semaphore, #tpu.memory_space<semaphore_mem>>) src(%dma_wait3A_268 : memref<16x256xi32, #tpu.memory_space<hbm>>) dst(%arg5 : memref<16x256xi32, #tpu.memory_space<vmem>>)
        tpu.yield
      }) : () -> ()
      %broadcast_in_dim3A = arith.constant 0 : i32
      %broadcast_in_dim3A_16 = vector.broadcast %broadcast_in_dim3A : i32 to vector<16xi32>
      %add3A_17 = arith.constant 255 : i32
      %add3A_18 = vector.broadcast %add3A_17 : i32 to vector<16xi32>
      %add3A_19 = arith.addi %broadcast_in_dim3A_16, %add3A_18 : vector<16xi32>
      %gather3A = tpu.vector_load_idx %arg5[%iota3A, %add3A_19] : memref<16x256xi32, #tpu.memory_space<vmem>>[vector<16xi32>, vector<16xi32>], vector<16xi32>,
      %sub3A = arith.constant 46 : i32
      %sub3A_20 = vector.broadcast %sub3A : i32 to vector<16xi32>
      %sub3A_21 = arith.subi %gather3A, %sub3A_20 : vector<16xi32>
      %jit3A = arith.constant 0 : i32
      %jit3A_22 = arith.constant 2 : i32
      %max3A = vector.broadcast %jit3A : i32 to vector<16xi32>
      %max3A_23 = arith.maxsi %max3A, %sub3A_21 : vector<16xi32>
      %min3A = vector.broadcast %jit3A_22 : i32 to vector<16xi32>
      %min3A_24 = arith.minsi %min3A, %max3A_23 : vector<16xi32>
      %add3A_25 = arith.constant 1 : i32
      %add3A_26 = vector.broadcast %add3A_25 : i32 to vector<16xi32>
      %add3A_27 = arith.addi %broadcast_in_dim3A_16, %add3A_26 : vector<16xi32>
      %gather3A_28 = tpu.vector_load_idx %arg5[%iota3A, %add3A_27] : memref<16x256xi32, #tpu.memory_space<vmem>>[vector<16xi32>, vector<16xi32>], vector<16xi32>,
      %sub3A_29 = arith.constant 49 : i32
      %sub3A_30 = vector.broadcast %sub3A_29 : i32 to vector<16xi32>
      %sub3A_31 = arith.subi %gather3A_28, %sub3A_30 : vector<16xi32>
      %jit3A_32 = arith.constant 0 : i32
      %jit3A_33 = arith.constant 3 : i32
      %max3A_34 = vector.broadcast %jit3A_32 : i32 to vector<16xi32>
      %max3A_35 = arith.maxsi %max3A_34, %sub3A_31 : vector<16xi32>
      %min3A_36 = vector.broadcast %jit3A_33 : i32 to vector<16xi32>
      %min3A_37 = arith.minsi %min3A_36, %max3A_35 : vector<16xi32>
      %broadcast_in_dim3A_38 = arith.constant -1 : i32
      %broadcast_in_dim3A_39 = vector.broadcast %broadcast_in_dim3A_38 : i32 to vector<16xi32>
      %broadcast_in_dim3A_40 = arith.constant 0 : i32
      %broadcast_in_dim3A_41 = vector.broadcast %broadcast_in_dim3A_40 : i32 to vector<16xi32>
      %broadcast_in_dim3A_42 = arith.constant 24 : i32
      %broadcast_in_dim3A_43 = vector.broadcast %broadcast_in_dim3A_42 : i32 to vector<16xi32>
      %broadcast_in_dim3A_44 = arith.constant 24 : i32
      %broadcast_in_dim3A_45 = vector.broadcast %broadcast_in_dim3A_44 : i32 to vector<16xi32>
      %broadcast_in_dim3A_46 = arith.constant 24 : i32
      %broadcast_in_dim3A_47 = vector.broadcast %broadcast_in_dim3A_46 : i32 to vector<16xi32>
      %scan3A_48 = arith.constant 0 : i32
      %scan3A_49 = arith.constant 256 : i32
      %scan3A_50 = arith.addi %scan3A_48, %scan3A_49 : i32
      %scan3A_51 = arith.constant 1 : i32
      %scan3A_52:5 = scf.for %scan3A_263 = %scan3A_48 to %scan3A_50 step %scan3A_51 iter_args(%scan3A_264 = %broadcast_in_dim3A_39, %scan3A_265 = %broadcast_in_dim3A_41, %scan3A_266 = %broadcast_in_dim3A_43, %scan3A_267 = %broadcast_in_dim3A_45, %scan3A_268 = %broadcast_in_dim3A_47) -> (vector<16xi32>, vector<16xi32>, vector<16xi32>, vector<16xi32>, vector<16xi32>)  : i32 {
        %add3A_269 = vector.broadcast %scan3A_263 : i32 to vector<16xi32>
        %add3A_270 = arith.addi %broadcast_in_dim3A_16, %add3A_269 : vector<16xi32>
        %gather3A_271 = tpu.vector_load_idx %arg5[%iota3A, %add3A_270] : memref<16x256xi32, #tpu.memory_space<vmem>>[vector<16xi32>, vector<16xi32>], vector<16xi32>,
        %eq3A_272 = arith.cmpi eq, %scan3A_264, %min3A_24 : vector<16xi32>
        %mul3A_273 = arith.constant 8 : i32
        %mul3A_274 = vector.broadcast %mul3A_273 : i32 to vector<16xi32>
        %mul3A_275 = arith.muli %scan3A_265, %mul3A_274 : vector<16xi32>
        %sub3A_276 = arith.constant 2 : i32
        %sub3A_277 = vector.broadcast %sub3A_276 : i32 to vector<16xi32>
        %sub3A_278 = arith.subi %sub3A_277, %mul3A_275 : vector<16xi32>
        %add3A_279 = arith.addi %gather3A_271, %sub3A_278 : vector<16xi32>
        %ge3A = arith.constant 0 : i32
        %ge3A_280 = vector.broadcast %ge3A : i32 to vector<16xi32>
        %ge3A_281 = arith.cmpi sge, %add3A_279, %ge3A_280 : vector<16xi32>
        %and3A_282 = arith.andi %eq3A_272, %ge3A_281 : vector<16xi1>
        %lt3A_283 = arith.constant 8 : i32
        %lt3A_284 = vector.broadcast %lt3A_283 : i32 to vector<16xi32>
        %lt3A_285 = arith.cmpi slt, %add3A_279, %lt3A_284 : vector<16xi32>
        %and3A_286 = arith.andi %and3A_282, %lt3A_285 : vector<16xi1>
        %ge3A_287 = arith.constant 3 : i32
        %ge3A_288 = vector.broadcast %ge3A_287 : i32 to vector<16xi32>
        %ge3A_289 = arith.cmpi sge, %scan3A_265, %ge3A_288 : vector<16xi32>
        %and3A_290 = arith.andi %and3A_286, %ge3A_289 : vector<16xi1>
        %le3A = arith.constant 5 : i32
        %le3A_291 = vector.broadcast %le3A : i32 to vector<16xi32>
        %le3A_292 = arith.cmpi sle, %scan3A_265, %le3A_291 : vector<16xi32>
        %and3A_293 = arith.andi %and3A_290, %le3A_292 : vector<16xi1>
        %sub3A_294 = arith.constant 22 : i32
        %sub3A_295 = vector.broadcast %sub3A_294 : i32 to vector<16xi32>
        %sub3A_296 = arith.subi %gather3A_271, %sub3A_295 : vector<16xi32>
        %jit3A_297 = arith.constant 24 : i32
        %broadcast_in_dim3A_298 = vector.broadcast %jit3A_297 : i32 to vector<16xi32>
        %select_n3A_299 = arith.select %and3A_293, %sub3A_296, %broadcast_in_dim3A_298 : vector<16xi1>, vector<16xi32>
        %min3A_300 = arith.minsi %scan3A_266, %select_n3A_299 : vector<16xi32>
        %xor3A_301 = arith.constant 8 : i32
        %xor3A_302 = vector.broadcast %xor3A_301 : i32 to vector<16xi32>
        %xor3A_303 = arith.xori %select_n3A_299, %xor3A_302 : vector<16xi32>
        %min3A_304 = arith.minsi %scan3A_267, %xor3A_303 : vector<16xi32>
        %xor3A_305 = arith.constant 16 : i32
        %xor3A_306 = vector.broadcast %xor3A_305 : i32 to vector<16xi32>
        %xor3A_307 = arith.xori %select_n3A_299, %xor3A_306 : vector<16xi32>
        %min3A_308 = arith.minsi %scan3A_268, %xor3A_307 : vector<16xi32>
        %sub3A_309 = arith.constant 46 : i32
        %sub3A_310 = vector.broadcast %sub3A_309 : i32 to vector<16xi32>
        %sub3A_311 = arith.subi %gather3A_271, %sub3A_310 : vector<16xi32>
        %ge3A_312 = arith.constant 0 : i32
        %ge3A_313 = vector.broadcast %ge3A_312 : i32 to vector<16xi32>
        %ge3A_314 = arith.cmpi sge, %sub3A_311, %ge3A_313 : vector<16xi32>
        %lt3A_315 = arith.constant 3 : i32
        %lt3A_316 = vector.broadcast %lt3A_315 : i32 to vector<16xi32>
        %lt3A_317 = arith.cmpi slt, %sub3A_311, %lt3A_316 : vector<16xi32>
        %and3A_318 = arith.andi %ge3A_314, %lt3A_317 : vector<16xi1>
        %select_n3A_319 = arith.select %and3A_318, %sub3A_311, %scan3A_264 : vector<16xi1>, vector<16xi32>
        scf.yield %select_n3A_319, %gather3A_271, %min3A_300, %min3A_304, %min3A_308 : vector<16xi32>, vector<16xi32>, vector<16xi32>, vector<16xi32>, vector<16xi32>
      }
      %scan3A_53 = arith.constant 256 : i32
      %lt3A = arith.constant 8 : i32
      %lt3A_54 = vector.broadcast %lt3A : i32 to vector<16xi32>
      %lt3A_55 = arith.cmpi slt, %scan3A_52#2, %lt3A_54 : vector<16xi32>
      %jit3A_56 = arith.constant 0 : i32
      %broadcast_in_dim3A_57 = vector.broadcast %jit3A_56 : i32 to vector<16xi32>
      %select_n3A = arith.select %lt3A_55, %scan3A_52#2, %broadcast_in_dim3A_57 : vector<16xi1>, vector<16xi32>
      %lt3A_58 = arith.constant 8 : i32
      %lt3A_59 = vector.broadcast %lt3A_58 : i32 to vector<16xi32>
      %lt3A_60 = arith.cmpi slt, %scan3A_52#3, %lt3A_59 : vector<16xi32>
      %jit3A_61 = arith.constant 0 : i32
      %broadcast_in_dim3A_62 = vector.broadcast %jit3A_61 : i32 to vector<16xi32>
      %select_n3A_63 = arith.select %lt3A_60, %scan3A_52#3, %broadcast_in_dim3A_62 : vector<16xi1>, vector<16xi32>
      %lt3A_64 = arith.constant 8 : i32
      %lt3A_65 = vector.broadcast %lt3A_64 : i32 to vector<16xi32>
      %lt3A_66 = arith.cmpi slt, %scan3A_52#4, %lt3A_65 : vector<16xi32>
      %jit3A_67 = arith.constant 0 : i32
      %broadcast_in_dim3A_68 = vector.broadcast %jit3A_67 : i32 to vector<16xi32>
      %select_n3A_69 = arith.select %lt3A_66, %scan3A_52#4, %broadcast_in_dim3A_68 : vector<16xi1>, vector<16xi32>
      %mul3A_70 = arith.constant 2 : i32
      %mul3A_71 = vector.broadcast %mul3A_70 : i32 to vector<16xi32>
      %mul3A_72 = arith.muli %mul3A_71, %select_n3A_63 : vector<16xi32>
      %add3A_73 = arith.addi %select_n3A, %mul3A_72 : vector<16xi32>
      %mul3A_74 = arith.constant 3 : i32
      %mul3A_75 = vector.broadcast %mul3A_74 : i32 to vector<16xi32>
      %mul3A_76 = arith.muli %mul3A_75, %select_n3A_69 : vector<16xi32>
      %add3A_77 = arith.addi %add3A_73, %mul3A_76 : vector<16xi32>
      %and3A = arith.constant 7 : i32
      %and3A_78 = vector.broadcast %and3A : i32 to vector<16xi32>
      %and3A_79 = arith.andi %add3A_77, %and3A_78 : vector<16xi32>
      %add3A_80 = arith.constant 1 : i32
      %add3A_81 = vector.broadcast %add3A_80 : i32 to vector<16xi32>
      %add3A_82 = arith.addi %select_n3A_63, %add3A_81 : vector<16xi32>
      %mul3A_83 = arith.muli %select_n3A, %add3A_82 : vector<16xi32>
      %xor3A = arith.xori %select_n3A, %select_n3A_63 : vector<16xi32>
      %add3A_84 = arith.constant 1 : i32
      %add3A_85 = vector.broadcast %add3A_84 : i32 to vector<16xi32>
      %add3A_86 = arith.addi %xor3A, %add3A_85 : vector<16xi32>
      %mul3A_87 = arith.muli %select_n3A_69, %add3A_86 : vector<16xi32>
      %add3A_88 = arith.addi %mul3A_83, %mul3A_87 : vector<16xi32>
      %and3A_89 = arith.constant 7 : i32
      %and3A_90 = vector.broadcast %and3A_89 : i32 to vector<16xi32>
      %and3A_91 = arith.andi %add3A_88, %and3A_90 : vector<16xi32>
      %eq3A = arith.constant 0 : i32
      %eq3A_92 = vector.broadcast %eq3A : i32 to vector<16xi32>
      %eq3A_93 = arith.cmpi eq, %min3A_37, %eq3A_92 : vector<16xi32>
      %eq3A_94 = arith.constant 1 : i32
      %eq3A_95 = vector.broadcast %eq3A_94 : i32 to vector<16xi32>
      %eq3A_96 = arith.cmpi eq, %min3A_37, %eq3A_95 : vector<16xi32>
      %select_n3A_97 = arith.select %eq3A_96, %and3A_79, %and3A_91 : vector<16xi1>, vector<16xi32>
      %select_n3A_98 = arith.select %eq3A_93, %select_n3A, %select_n3A_97 : vector<16xi1>, vector<16xi32>
      %mul3A_99 = arith.constant 64 : i32
      %mul3A_100 = vector.broadcast %mul3A_99 : i32 to vector<16xi32>
      %mul3A_101 = arith.muli %select_n3A, %mul3A_100 : vector<16xi32>
      %mul3A_102 = arith.constant 8 : i32
      %mul3A_103 = vector.broadcast %mul3A_102 : i32 to vector<16xi32>
      %mul3A_104 = arith.muli %select_n3A_63, %mul3A_103 : vector<16xi32>
      %add3A_105 = arith.addi %mul3A_101, %mul3A_104 : vector<16xi32>
      %add3A_106 = arith.addi %add3A_105, %select_n3A_69 : vector<16xi32>
      %mul3A_107 = arith.constant 8 : i32
      %mul3A_108 = vector.broadcast %mul3A_107 : i32 to vector<16xi32>
      %mul3A_109 = arith.muli %add3A_106, %mul3A_108 : vector<16xi32>
      %add3A_110 = arith.constant 0 : i32
      %add3A_111 = vector.broadcast %add3A_110 : i32 to vector<16xi32>
      %add3A_112 = arith.addi %mul3A_109, %add3A_111 : vector<16xi32>
      %gather3A_113 = tpu.vector_load_idx %arg6[%add3A_112] : memref<4096xf32, #tpu.memory_space<vmem>>[vector<16xi32>], vector<16xf32>,
      %eq3A_114 = arith.constant 0 : i32
      %eq3A_115 = vector.broadcast %eq3A_114 : i32 to vector<16xi32>
      %eq3A_116 = arith.cmpi eq, %select_n3A_98, %eq3A_115 : vector<16xi32>
      %jit3A_117 = arith.constant 1.200000e+01 : f32
      %jit3A_118 = arith.constant 0.000000e+00 : f32
      %broadcast_in_dim3A_119 = vector.broadcast %jit3A_117 : f32 to vector<16xf32>
      %broadcast_in_dim3A_120 = vector.broadcast %jit3A_118 : f32 to vector<16xf32>
      %select_n3A_121 = arith.select %eq3A_116, %broadcast_in_dim3A_119, %broadcast_in_dim3A_120 : vector<16xi1>, vector<16xf32>
      %eq3A_122 = arith.constant 3 : i32
      %eq3A_123 = vector.broadcast %eq3A_122 : i32 to vector<16xi32>
      %eq3A_124 = arith.cmpi eq, %min3A_37, %eq3A_123 : vector<16xi32>
      %select_n3A_125 = arith.select %eq3A_124, %gather3A_113, %select_n3A_121 : vector<16xi1>, vector<16xf32>
      %add3A_126 = arith.constant 0 : i32
      %add3A_127 = vector.broadcast %add3A_126 : i32 to vector<16xi32>
      %add3A_128 = arith.addi %broadcast_in_dim3A_16, %add3A_127 : vector<16xi32>
      tpu.vector_store_idx %arg7[%iota3A, %add3A_128], %select_n3A_125 : memref<16x8xf32, #tpu.memory_space<vmem>>[vector<16xi32>, vector<16xi32>], vector<16xf32>,
      %add3A_129 = arith.constant 1 : i32
      %add3A_130 = vector.broadcast %add3A_129 : i32 to vector<16xi32>
      %add3A_131 = arith.addi %mul3A_109, %add3A_130 : vector<16xi32>
      %gather3A_132 = tpu.vector_load_idx %arg6[%add3A_131] : memref<4096xf32, #tpu.memory_space<vmem>>[vector<16xi32>], vector<16xf32>,
      %eq3A_133 = arith.constant 1 : i32
      %eq3A_134 = vector.broadcast %eq3A_133 : i32 to vector<16xi32>
      %eq3A_135 = arith.cmpi eq, %select_n3A_98, %eq3A_134 : vector<16xi32>
      %jit3A_136 = arith.constant 1.200000e+01 : f32
      %jit3A_137 = arith.constant 0.000000e+00 : f32
      %broadcast_in_dim3A_138 = vector.broadcast %jit3A_136 : f32 to vector<16xf32>
      %broadcast_in_dim3A_139 = vector.broadcast %jit3A_137 : f32 to vector<16xf32>
      %select_n3A_140 = arith.select %eq3A_135, %broadcast_in_dim3A_138, %broadcast_in_dim3A_139 : vector<16xi1>, vector<16xf32>
      %eq3A_141 = arith.constant 3 : i32
      %eq3A_142 = vector.broadcast %eq3A_141 : i32 to vector<16xi32>
      %eq3A_143 = arith.cmpi eq, %min3A_37, %eq3A_142 : vector<16xi32>
      %select_n3A_144 = arith.select %eq3A_143, %gather3A_132, %select_n3A_140 : vector<16xi1>, vector<16xf32>
      %add3A_145 = arith.constant 1 : i32
      %add3A_146 = vector.broadcast %add3A_145 : i32 to vector<16xi32>
      %add3A_147 = arith.addi %broadcast_in_dim3A_16, %add3A_146 : vector<16xi32>
      tpu.vector_store_idx %arg7[%iota3A, %add3A_147], %select_n3A_144 : memref<16x8xf32, #tpu.memory_space<vmem>>[vector<16xi32>, vector<16xi32>], vector<16xf32>,
      %add3A_148 = arith.constant 2 : i32
      %add3A_149 = vector.broadcast %add3A_148 : i32 to vector<16xi32>
      %add3A_150 = arith.addi %mul3A_109, %add3A_149 : vector<16xi32>
      %gather3A_151 = tpu.vector_load_idx %arg6[%add3A_150] : memref<4096xf32, #tpu.memory_space<vmem>>[vector<16xi32>], vector<16xf32>,
      %eq3A_152 = arith.constant 2 : i32
      %eq3A_153 = vector.broadcast %eq3A_152 : i32 to vector<16xi32>
      %eq3A_154 = arith.cmpi eq, %select_n3A_98, %eq3A_153 : vector<16xi32>
      %jit3A_155 = arith.constant 1.200000e+01 : f32
      %jit3A_156 = arith.constant 0.000000e+00 : f32
      %broadcast_in_dim3A_157 = vector.broadcast %jit3A_155 : f32 to vector<16xf32>
      %broadcast_in_dim3A_158 = vector.broadcast %jit3A_156 : f32 to vector<16xf32>
      %select_n3A_159 = arith.select %eq3A_154, %broadcast_in_dim3A_157, %broadcast_in_dim3A_158 : vector<16xi1>, vector<16xf32>
      %eq3A_160 = arith.constant 3 : i32
      %eq3A_161 = vector.broadcast %eq3A_160 : i32 to vector<16xi32>
      %eq3A_162 = arith.cmpi eq, %min3A_37, %eq3A_161 : vector<16xi32>
      %select_n3A_163 = arith.select %eq3A_162, %gather3A_151, %select_n3A_159 : vector<16xi1>, vector<16xf32>
      %add3A_164 = arith.constant 2 : i32
      %add3A_165 = vector.broadcast %add3A_164 : i32 to vector<16xi32>
      %add3A_166 = arith.addi %broadcast_in_dim3A_16, %add3A_165 : vector<16xi32>
      tpu.vector_store_idx %arg7[%iota3A, %add3A_166], %select_n3A_163 : memref<16x8xf32, #tpu.memory_space<vmem>>[vector<16xi32>, vector<16xi32>], vector<16xf32>,
      %add3A_167 = arith.constant 3 : i32
      %add3A_168 = vector.broadcast %add3A_167 : i32 to vector<16xi32>
      %add3A_169 = arith.addi %mul3A_109, %add3A_168 : vector<16xi32>
      %gather3A_170 = tpu.vector_load_idx %arg6[%add3A_169] : memref<4096xf32, #tpu.memory_space<vmem>>[vector<16xi32>], vector<16xf32>,
      %eq3A_171 = arith.constant 3 : i32
      %eq3A_172 = vector.broadcast %eq3A_171 : i32 to vector<16xi32>
      %eq3A_173 = arith.cmpi eq, %select_n3A_98, %eq3A_172 : vector<16xi32>
      %jit3A_174 = arith.constant 1.200000e+01 : f32
      %jit3A_175 = arith.constant 0.000000e+00 : f32
      %broadcast_in_dim3A_176 = vector.broadcast %jit3A_174 : f32 to vector<16xf32>
      %broadcast_in_dim3A_177 = vector.broadcast %jit3A_175 : f32 to vector<16xf32>
      %select_n3A_178 = arith.select %eq3A_173, %broadcast_in_dim3A_176, %broadcast_in_dim3A_177 : vector<16xi1>, vector<16xf32>
      %eq3A_179 = arith.constant 3 : i32
      %eq3A_180 = vector.broadcast %eq3A_179 : i32 to vector<16xi32>
      %eq3A_181 = arith.cmpi eq, %min3A_37, %eq3A_180 : vector<16xi32>
      %select_n3A_182 = arith.select %eq3A_181, %gather3A_170, %select_n3A_178 : vector<16xi1>, vector<16xf32>
      %add3A_183 = arith.constant 3 : i32
      %add3A_184 = vector.broadcast %add3A_183 : i32 to vector<16xi32>
      %add3A_185 = arith.addi %broadcast_in_dim3A_16, %add3A_184 : vector<16xi32>
      tpu.vector_store_idx %arg7[%iota3A, %add3A_185], %select_n3A_182 : memref<16x8xf32, #tpu.memory_space<vmem>>[vector<16xi32>, vector<16xi32>], vector<16xf32>,
      %add3A_186 = arith.constant 4 : i32
      %add3A_187 = vector.broadcast %add3A_186 : i32 to vector<16xi32>
      %add3A_188 = arith.addi %mul3A_109, %add3A_187 : vector<16xi32>
      %gather3A_189 = tpu.vector_load_idx %arg6[%add3A_188] : memref<4096xf32, #tpu.memory_space<vmem>>[vector<16xi32>], vector<16xf32>,
      %eq3A_190 = arith.constant 4 : i32
      %eq3A_191 = vector.broadcast %eq3A_190 : i32 to vector<16xi32>
      %eq3A_192 = arith.cmpi eq, %select_n3A_98, %eq3A_191 : vector<16xi32>
      %jit3A_193 = arith.constant 1.200000e+01 : f32
      %jit3A_194 = arith.constant 0.000000e+00 : f32
      %broadcast_in_dim3A_195 = vector.broadcast %jit3A_193 : f32 to vector<16xf32>
      %broadcast_in_dim3A_196 = vector.broadcast %jit3A_194 : f32 to vector<16xf32>
      %select_n3A_197 = arith.select %eq3A_192, %broadcast_in_dim3A_195, %broadcast_in_dim3A_196 : vector<16xi1>, vector<16xf32>
      %eq3A_198 = arith.constant 3 : i32
      %eq3A_199 = vector.broadcast %eq3A_198 : i32 to vector<16xi32>
      %eq3A_200 = arith.cmpi eq, %min3A_37, %eq3A_199 : vector<16xi32>
      %select_n3A_201 = arith.select %eq3A_200, %gather3A_189, %select_n3A_197 : vector<16xi1>, vector<16xf32>
      %add3A_202 = arith.constant 4 : i32
      %add3A_203 = vector.broadcast %add3A_202 : i32 to vector<16xi32>
      %add3A_204 = arith.addi %broadcast_in_dim3A_16, %add3A_203 : vector<16xi32>
      tpu.vector_store_idx %arg7[%iota3A, %add3A_204], %select_n3A_201 : memref<16x8xf32, #tpu.memory_space<vmem>>[vector<16xi32>, vector<16xi32>], vector<16xf32>,
      %add3A_205 = arith.constant 5 : i32
      %add3A_206 = vector.broadcast %add3A_205 : i32 to vector<16xi32>
      %add3A_207 = arith.addi %mul3A_109, %add3A_206 : vector<16xi32>
      %gather3A_208 = tpu.vector_load_idx %arg6[%add3A_207] : memref<4096xf32, #tpu.memory_space<vmem>>[vector<16xi32>], vector<16xf32>,
      %eq3A_209 = arith.constant 5 : i32
      %eq3A_210 = vector.broadcast %eq3A_209 : i32 to vector<16xi32>
      %eq3A_211 = arith.cmpi eq, %select_n3A_98, %eq3A_210 : vector<16xi32>
      %jit3A_212 = arith.constant 1.200000e+01 : f32
      %jit3A_213 = arith.constant 0.000000e+00 : f32
      %broadcast_in_dim3A_214 = vector.broadcast %jit3A_212 : f32 to vector<16xf32>
      %broadcast_in_dim3A_215 = vector.broadcast %jit3A_213 : f32 to vector<16xf32>
      %select_n3A_216 = arith.select %eq3A_211, %broadcast_in_dim3A_214, %broadcast_in_dim3A_215 : vector<16xi1>, vector<16xf32>
      %eq3A_217 = arith.constant 3 : i32
      %eq3A_218 = vector.broadcast %eq3A_217 : i32 to vector<16xi32>
      %eq3A_219 = arith.cmpi eq, %min3A_37, %eq3A_218 : vector<16xi32>
      %select_n3A_220 = arith.select %eq3A_219, %gather3A_208, %select_n3A_216 : vector<16xi1>, vector<16xf32>
      %add3A_221 = arith.constant 5 : i32
      %add3A_222 = vector.broadcast %add3A_221 : i32 to vector<16xi32>
      %add3A_223 = arith.addi %broadcast_in_dim3A_16, %add3A_222 : vector<16xi32>
      tpu.vector_store_idx %arg7[%iota3A, %add3A_223], %select_n3A_220 : memref<16x8xf32, #tpu.memory_space<vmem>>[vector<16xi32>, vector<16xi32>], vector<16xf32>,
      %add3A_224 = arith.constant 6 : i32
      %add3A_225 = vector.broadcast %add3A_224 : i32 to vector<16xi32>
      %add3A_226 = arith.addi %mul3A_109, %add3A_225 : vector<16xi32>
      %gather3A_227 = tpu.vector_load_idx %arg6[%add3A_226] : memref<4096xf32, #tpu.memory_space<vmem>>[vector<16xi32>], vector<16xf32>,
      %eq3A_228 = arith.constant 6 : i32
      %eq3A_229 = vector.broadcast %eq3A_228 : i32 to vector<16xi32>
      %eq3A_230 = arith.cmpi eq, %select_n3A_98, %eq3A_229 : vector<16xi32>
      %jit3A_231 = arith.constant 1.200000e+01 : f32
      %jit3A_232 = arith.constant 0.000000e+00 : f32
      %broadcast_in_dim3A_233 = vector.broadcast %jit3A_231 : f32 to vector<16xf32>
      %broadcast_in_dim3A_234 = vector.broadcast %jit3A_232 : f32 to vector<16xf32>
      %select_n3A_235 = arith.select %eq3A_230, %broadcast_in_dim3A_233, %broadcast_in_dim3A_234 : vector<16xi1>, vector<16xf32>
      %eq3A_236 = arith.constant 3 : i32
      %eq3A_237 = vector.broadcast %eq3A_236 : i32 to vector<16xi32>
      %eq3A_238 = arith.cmpi eq, %min3A_37, %eq3A_237 : vector<16xi32>
      %select_n3A_239 = arith.select %eq3A_238, %gather3A_227, %select_n3A_235 : vector<16xi1>, vector<16xf32>
      %add3A_240 = arith.constant 6 : i32
      %add3A_241 = vector.broadcast %add3A_240 : i32 to vector<16xi32>
      %add3A_242 = arith.addi %broadcast_in_dim3A_16, %add3A_241 : vector<16xi32>
      tpu.vector_store_idx %arg7[%iota3A, %add3A_242], %select_n3A_239 : memref<16x8xf32, #tpu.memory_space<vmem>>[vector<16xi32>, vector<16xi32>], vector<16xf32>,
      %add3A_243 = arith.constant 7 : i32
      %add3A_244 = vector.broadcast %add3A_243 : i32 to vector<16xi32>
      %add3A_245 = arith.addi %mul3A_109, %add3A_244 : vector<16xi32>
      %gather3A_246 = tpu.vector_load_idx %arg6[%add3A_245] : memref<4096xf32, #tpu.memory_space<vmem>>[vector<16xi32>], vector<16xf32>,
      %eq3A_247 = arith.constant 7 : i32
      %eq3A_248 = vector.broadcast %eq3A_247 : i32 to vector<16xi32>
      %eq3A_249 = arith.cmpi eq, %select_n3A_98, %eq3A_248 : vector<16xi32>
      %jit3A_250 = arith.constant 1.200000e+01 : f32
      %jit3A_251 = arith.constant 0.000000e+00 : f32
      %broadcast_in_dim3A_252 = vector.broadcast %jit3A_250 : f32 to vector<16xf32>
      %broadcast_in_dim3A_253 = vector.broadcast %jit3A_251 : f32 to vector<16xf32>
      %select_n3A_254 = arith.select %eq3A_249, %broadcast_in_dim3A_252, %broadcast_in_dim3A_253 : vector<16xi1>, vector<16xf32>
      %eq3A_255 = arith.constant 3 : i32
      %eq3A_256 = vector.broadcast %eq3A_255 : i32 to vector<16xi32>
      %eq3A_257 = arith.cmpi eq, %min3A_37, %eq3A_256 : vector<16xi32>
      %select_n3A_258 = arith.select %eq3A_257, %gather3A_246, %select_n3A_254 : vector<16xi1>, vector<16xf32>
      %add3A_259 = arith.constant 7 : i32
      %add3A_260 = vector.broadcast %add3A_259 : i32 to vector<16xi32>
      %add3A_261 = arith.addi %broadcast_in_dim3A_16, %add3A_260 : vector<16xi32>
      tpu.vector_store_idx %arg7[%iota3A, %add3A_261], %select_n3A_258 : memref<16x8xf32, #tpu.memory_space<vmem>>[vector<16xi32>, vector<16xi32>], vector<16xf32>,
      "tpu.region"() ({
        %run_scoped3A = tpu.sem_alloc : memref<!tpu.dma_semaphore, #tpu.memory_space<semaphore_mem>>
        %dma_start3A = arith.constant 0 : i32
        %dma_start3A_263 = tpu.memref_slice %arg4[%add3A_13, %dma_start3A] : memref<5632x8xf32, #tpu.memory_space<hbm>> -> memref<16x8xf32, #tpu.memory_space<hbm>>
        %dma_start3A_264 = arith.constant 0 : i32
        %dma_start3A_265 = tpu.memref_slice %arg4[%add3A_13, %dma_start3A_264] : memref<5632x8xf32, #tpu.memory_space<hbm>> -> memref<16x8xf32, #tpu.memory_space<hbm>>
        tpu.enqueue_dma source(%arg7 : memref<16x8xf32, #tpu.memory_space<vmem>>) target(%dma_start3A_265 : memref<16x8xf32, #tpu.memory_space<hbm>>) target_semaphore(%run_scoped3A : memref<!tpu.dma_semaphore, #tpu.memory_space<semaphore_mem>>)
        %dma_wait3A = arith.constant 0 : i32
        %dma_wait3A_266 = tpu.memref_slice %arg4[%add3A_13, %dma_wait3A] : memref<5632x8xf32, #tpu.memory_space<hbm>> -> memref<16x8xf32, #tpu.memory_space<hbm>>
        %dma_wait3A_267 = arith.constant 0 : i32
        %dma_wait3A_268 = tpu.memref_slice %arg4[%add3A_13, %dma_wait3A_267] : memref<5632x8xf32, #tpu.memory_space<hbm>> -> memref<16x8xf32, #tpu.memory_space<hbm>>
        tpu.wait_dma2 semaphore(%run_scoped3A : memref<!tpu.dma_semaphore, #tpu.memory_space<semaphore_mem>>) src(%arg7 : memref<16x8xf32, #tpu.memory_space<vmem>>) dst(%dma_wait3A_268 : memref<16x8xf32, #tpu.memory_space<hbm>>)
        tpu.yield
      }) : () -> ()
      %scan3A_262 = arith.constant 0 : i32
      scf.yield %scan3A_262 : i32
    }
    %scan3A_6 = arith.constant 11 : i32
    return
  }
}

module attributes {stable_mosaic.version = 14 : i64} {
  func.func @_body(%arg0: i32, %arg1: memref<512x256xi32, #tpu.memory_space<vmem>>, %arg2: memref<512x8xf32, #tpu.memory_space<vmem>>, %arg3: memref<512x8xf32, #tpu.memory_space<vmem>>) attributes {dimension_semantics = [#tpu.dimension_semantics<arbitrary>], iteration_bounds = array<i64: 21>, scalar_prefetch = 0 : i64, scratch_operands = 0 : i64, tpu.core_type = #tpu.core_type<tc>, window_params = [{transform_indices = @transform_0, window_bounds = array<i64: 512, 256>}, {pipeline_mode = #tpu.pipeline_mode<synchronous>, transform_indices = @transform_1, window_bounds = array<i64: 512, 8>}, {transform_indices = @transform_2, window_bounds = array<i64: 512, 8>}]} {
    %get3A = arith.constant 0 : index
    %get3A_0 = arith.constant 0 : index
    %get3A_1 = vector.load %arg1[%get3A, %get3A_0] : memref<512x256xi32, #tpu.memory_space<vmem>>, vector<512x256xi32>
    %iota3A = tpu.iota {dimensions = array<i32: 1>} : vector<512x256xi32>
    %ge3A = arith.constant 46 : i32
    %ge3A_2 = vector.broadcast %ge3A : i32 to vector<512x256xi32>
    %ge3A_3 = arith.cmpi sge, %get3A_1, %ge3A_2 : vector<512x256xi32>
    %lt3A = arith.constant 49 : i32
    %lt3A_4 = vector.broadcast %lt3A : i32 to vector<512x256xi32>
    %lt3A_5 = arith.cmpi slt, %get3A_1, %lt3A_4 : vector<512x256xi32>
    %and3A = arith.andi %ge3A_3, %lt3A_5 : vector<512x256xi1>
    %mul3A = arith.constant 4 : i32
    %mul3A_6 = vector.broadcast %mul3A : i32 to vector<512x256xi32>
    %mul3A_7 = arith.muli %iota3A, %mul3A_6 : vector<512x256xi32>
    %sub3A = arith.constant 46 : i32
    %sub3A_8 = vector.broadcast %sub3A : i32 to vector<512x256xi32>
    %sub3A_9 = arith.subi %get3A_1, %sub3A_8 : vector<512x256xi32>
    %add3A = arith.addi %mul3A_7, %sub3A_9 : vector<512x256xi32>
    %jit3A = arith.constant -1 : i32
    %broadcast_in_dim3A = vector.broadcast %jit3A : i32 to vector<512x256xi32>
    %select_n3A = arith.select %and3A, %add3A, %broadcast_in_dim3A : vector<512x256xi1>, vector<512x256xi32>
    %broadcast_in_dim3A_10 = arith.constant -1 : i32
    %broadcast_in_dim3A_11 = vector.broadcast %broadcast_in_dim3A_10 : i32 to vector<512x1xi32>
    %slice3A = vector.extract_strided_slice %select_n3A {offsets = [0, 0], sizes = [512, 255], strides = [1, 1]} : vector<512x256xi32> to vector<512x255xi32>
    %concatenate3A = tpu.concatenate %broadcast_in_dim3A_11, %slice3A in 1 : vector<512x1xi32>, vector<512x255xi32> -> vector<512x256xi32>
    %max3A = arith.maxsi %select_n3A, %concatenate3A : vector<512x256xi32>
    %broadcast_in_dim3A_12 = arith.constant -1 : i32
    %broadcast_in_dim3A_13 = vector.broadcast %broadcast_in_dim3A_12 : i32 to vector<512x2xi32>
    %slice3A_14 = vector.extract_strided_slice %max3A {offsets = [0, 0], sizes = [512, 254], strides = [1, 1]} : vector<512x256xi32> to vector<512x254xi32>
    %concatenate3A_15 = tpu.concatenate %broadcast_in_dim3A_13, %slice3A_14 in 1 : vector<512x2xi32>, vector<512x254xi32> -> vector<512x256xi32>
    %max3A_16 = arith.maxsi %max3A, %concatenate3A_15 : vector<512x256xi32>
    %broadcast_in_dim3A_17 = arith.constant -1 : i32
    %broadcast_in_dim3A_18 = vector.broadcast %broadcast_in_dim3A_17 : i32 to vector<512x4xi32>
    %slice3A_19 = vector.extract_strided_slice %max3A_16 {offsets = [0, 0], sizes = [512, 252], strides = [1, 1]} : vector<512x256xi32> to vector<512x252xi32>
    %concatenate3A_20 = tpu.concatenate %broadcast_in_dim3A_18, %slice3A_19 in 1 : vector<512x4xi32>, vector<512x252xi32> -> vector<512x256xi32>
    %max3A_21 = arith.maxsi %max3A_16, %concatenate3A_20 : vector<512x256xi32>
    %broadcast_in_dim3A_22 = arith.constant -1 : i32
    %broadcast_in_dim3A_23 = vector.broadcast %broadcast_in_dim3A_22 : i32 to vector<512x8xi32>
    %slice3A_24 = vector.extract_strided_slice %max3A_21 {offsets = [0, 0], sizes = [512, 248], strides = [1, 1]} : vector<512x256xi32> to vector<512x248xi32>
    %concatenate3A_25 = tpu.concatenate %broadcast_in_dim3A_23, %slice3A_24 in 1 : vector<512x8xi32>, vector<512x248xi32> -> vector<512x256xi32>
    %max3A_26 = arith.maxsi %max3A_21, %concatenate3A_25 : vector<512x256xi32>
    %broadcast_in_dim3A_27 = arith.constant -1 : i32
    %broadcast_in_dim3A_28 = vector.broadcast %broadcast_in_dim3A_27 : i32 to vector<512x16xi32>
    %slice3A_29 = vector.extract_strided_slice %max3A_26 {offsets = [0, 0], sizes = [512, 240], strides = [1, 1]} : vector<512x256xi32> to vector<512x240xi32>
    %concatenate3A_30 = tpu.concatenate %broadcast_in_dim3A_28, %slice3A_29 in 1 : vector<512x16xi32>, vector<512x240xi32> -> vector<512x256xi32>
    %max3A_31 = arith.maxsi %max3A_26, %concatenate3A_30 : vector<512x256xi32>
    %broadcast_in_dim3A_32 = arith.constant -1 : i32
    %broadcast_in_dim3A_33 = vector.broadcast %broadcast_in_dim3A_32 : i32 to vector<512x32xi32>
    %slice3A_34 = vector.extract_strided_slice %max3A_31 {offsets = [0, 0], sizes = [512, 224], strides = [1, 1]} : vector<512x256xi32> to vector<512x224xi32>
    %concatenate3A_35 = tpu.concatenate %broadcast_in_dim3A_33, %slice3A_34 in 1 : vector<512x32xi32>, vector<512x224xi32> -> vector<512x256xi32>
    %max3A_36 = arith.maxsi %max3A_31, %concatenate3A_35 : vector<512x256xi32>
    %broadcast_in_dim3A_37 = arith.constant -1 : i32
    %broadcast_in_dim3A_38 = vector.broadcast %broadcast_in_dim3A_37 : i32 to vector<512x64xi32>
    %slice3A_39 = vector.extract_strided_slice %max3A_36 {offsets = [0, 0], sizes = [512, 192], strides = [1, 1]} : vector<512x256xi32> to vector<512x192xi32>
    %concatenate3A_40 = tpu.concatenate %broadcast_in_dim3A_38, %slice3A_39 in 1 : vector<512x64xi32>, vector<512x192xi32> -> vector<512x256xi32>
    %max3A_41 = arith.maxsi %max3A_36, %concatenate3A_40 : vector<512x256xi32>
    %broadcast_in_dim3A_42 = arith.constant -1 : i32
    %broadcast_in_dim3A_43 = vector.broadcast %broadcast_in_dim3A_42 : i32 to vector<512x128xi32>
    %slice3A_44 = vector.extract_strided_slice %max3A_41 {offsets = [0, 0], sizes = [512, 128], strides = [1, 1]} : vector<512x256xi32> to vector<512x128xi32>
    %concatenate3A_45 = tpu.concatenate %broadcast_in_dim3A_43, %slice3A_44 in 1 : vector<512x128xi32>, vector<512x128xi32> -> vector<512x256xi32>
    %max3A_46 = arith.maxsi %max3A_41, %concatenate3A_45 : vector<512x256xi32>
    %slice3A_47 = vector.extract_strided_slice %get3A_1 {offsets = [0, 1], sizes = [512, 255], strides = [1, 1]} : vector<512x256xi32> to vector<512x255xi32>
    %broadcast_in_dim3A_48 = arith.constant 0 : i32
    %broadcast_in_dim3A_49 = vector.broadcast %broadcast_in_dim3A_48 : i32 to vector<512x1xi32>
    %concatenate3A_50 = tpu.concatenate %slice3A_47, %broadcast_in_dim3A_49 in 1 : vector<512x255xi32>, vector<512x1xi32> -> vector<512x256xi32>
    %slice3A_51 = vector.extract_strided_slice %get3A_1 {offsets = [0, 255], sizes = [512, 1], strides = [1, 1]} : vector<512x256xi32> to vector<512x1xi32>
    %sub3A_52 = arith.constant 46 : i32
    %sub3A_53 = vector.broadcast %sub3A_52 : i32 to vector<512x1xi32>
    %sub3A_54 = arith.subi %slice3A_51, %sub3A_53 : vector<512x1xi32>
    %jit3A_55 = arith.constant 0 : i32
    %jit3A_56 = arith.constant 2 : i32
    %max3A_57 = vector.broadcast %jit3A_55 : i32 to vector<512x1xi32>
    %max3A_58 = arith.maxsi %max3A_57, %sub3A_54 : vector<512x1xi32>
    %min3A = vector.broadcast %jit3A_56 : i32 to vector<512x1xi32>
    %min3A_59 = arith.minsi %min3A, %max3A_58 : vector<512x1xi32>
    %slice3A_60 = vector.extract_strided_slice %get3A_1 {offsets = [0, 1], sizes = [512, 1], strides = [1, 1]} : vector<512x256xi32> to vector<512x1xi32>
    %sub3A_61 = arith.constant 49 : i32
    %sub3A_62 = vector.broadcast %sub3A_61 : i32 to vector<512x1xi32>
    %sub3A_63 = arith.subi %slice3A_60, %sub3A_62 : vector<512x1xi32>
    %jit3A_64 = arith.constant 0 : i32
    %jit3A_65 = arith.constant 3 : i32
    %max3A_66 = vector.broadcast %jit3A_64 : i32 to vector<512x1xi32>
    %max3A_67 = arith.maxsi %max3A_66, %sub3A_63 : vector<512x1xi32>
    %min3A_68 = vector.broadcast %jit3A_65 : i32 to vector<512x1xi32>
    %min3A_69 = arith.minsi %min3A_68, %max3A_67 : vector<512x1xi32>
    %ge3A_70 = arith.constant 0 : i32
    %ge3A_71 = vector.broadcast %ge3A_70 : i32 to vector<512x256xi32>
    %ge3A_72 = arith.cmpi sge, %max3A_46, %ge3A_71 : vector<512x256xi32>
    %and3A_73 = arith.constant 3 : i32
    %and3A_74 = vector.broadcast %and3A_73 : i32 to vector<512x256xi32>
    %and3A_75 = arith.andi %max3A_46, %and3A_74 : vector<512x256xi32>
    %eq3A = vector.broadcast %min3A_59 : vector<512x1xi32> to vector<512x256xi32>
    %eq3A_76 = arith.cmpi eq, %and3A_75, %eq3A : vector<512x256xi32>
    %and3A_77 = arith.andi %ge3A_72, %eq3A_76 : vector<512x256xi1>
    %sub3A_78 = arith.constant 22 : i32
    %sub3A_79 = vector.broadcast %sub3A_78 : i32 to vector<512x256xi32>
    %sub3A_80 = arith.subi %concatenate3A_50, %sub3A_79 : vector<512x256xi32>
    %mul3A_81 = arith.constant 8 : i32
    %mul3A_82 = vector.broadcast %mul3A_81 : i32 to vector<512x256xi32>
    %mul3A_83 = arith.muli %get3A_1, %mul3A_82 : vector<512x256xi32>
    %sub3A_84 = arith.constant 2 : i32
    %sub3A_85 = vector.broadcast %sub3A_84 : i32 to vector<512x256xi32>
    %sub3A_86 = arith.subi %sub3A_85, %mul3A_83 : vector<512x256xi32>
    %add3A_87 = arith.addi %concatenate3A_50, %sub3A_86 : vector<512x256xi32>
    %ge3A_88 = arith.constant 0 : i32
    %ge3A_89 = vector.broadcast %ge3A_88 : i32 to vector<512x256xi32>
    %ge3A_90 = arith.cmpi sge, %add3A_87, %ge3A_89 : vector<512x256xi32>
    %and3A_91 = arith.andi %and3A_77, %ge3A_90 : vector<512x256xi1>
    %lt3A_92 = arith.constant 8 : i32
    %lt3A_93 = vector.broadcast %lt3A_92 : i32 to vector<512x256xi32>
    %lt3A_94 = arith.cmpi slt, %add3A_87, %lt3A_93 : vector<512x256xi32>
    %and3A_95 = arith.andi %and3A_91, %lt3A_94 : vector<512x256xi1>
    %ge3A_96 = arith.constant 3 : i32
    %ge3A_97 = vector.broadcast %ge3A_96 : i32 to vector<512x256xi32>
    %ge3A_98 = arith.cmpi sge, %get3A_1, %ge3A_97 : vector<512x256xi32>
    %and3A_99 = arith.andi %and3A_95, %ge3A_98 : vector<512x256xi1>
    %le3A = arith.constant 5 : i32
    %le3A_100 = vector.broadcast %le3A : i32 to vector<512x256xi32>
    %le3A_101 = arith.cmpi sle, %get3A_1, %le3A_100 : vector<512x256xi32>
    %and3A_102 = arith.andi %and3A_99, %le3A_101 : vector<512x256xi1>
    %jit3A_103 = arith.constant 24 : i32
    %broadcast_in_dim3A_104 = vector.broadcast %jit3A_103 : i32 to vector<512x256xi32>
    %select_n3A_105 = arith.select %and3A_102, %sub3A_80, %broadcast_in_dim3A_104 : vector<512x256xi1>, vector<512x256xi32>
    %xor3A = arith.constant 0 : i32
    %xor3A_106 = vector.broadcast %xor3A : i32 to vector<512x256xi32>
    %xor3A_107 = arith.xori %select_n3A_105, %xor3A_106 : vector<512x256xi32>
    %slice3A_108 = vector.extract_strided_slice %xor3A_107 {offsets = [0, 0], sizes = [512, 128], strides = [1, 1]} : vector<512x256xi32> to vector<512x128xi32>
    %slice3A_109 = vector.extract_strided_slice %xor3A_107 {offsets = [0, 128], sizes = [512, 128], strides = [1, 1]} : vector<512x256xi32> to vector<512x128xi32>
    %min3A_110 = arith.minsi %slice3A_108, %slice3A_109 : vector<512x128xi32>
    %reduce_min3A = arith.constant dense<2147483647> : vector<512xi32>
    %reduce_min3A_111 = vector.multi_reduction <minsi>, %min3A_110, %reduce_min3A [1] : vector<512x128xi32> to vector<512xi32>
    %broadcast_in_dim3A_112 = vector.shape_cast %reduce_min3A_111 : vector<512xi32> to vector<512x1xi32>
    %lt3A_113 = arith.constant 8 : i32
    %lt3A_114 = vector.broadcast %lt3A_113 : i32 to vector<512x1xi32>
    %lt3A_115 = arith.cmpi slt, %broadcast_in_dim3A_112, %lt3A_114 : vector<512x1xi32>
    %jit3A_116 = arith.constant 0 : i32
    %broadcast_in_dim3A_117 = vector.broadcast %jit3A_116 : i32 to vector<512x1xi32>
    %select_n3A_118 = arith.select %lt3A_115, %broadcast_in_dim3A_112, %broadcast_in_dim3A_117 : vector<512x1xi1>, vector<512x1xi32>
    %xor3A_119 = arith.constant 8 : i32
    %xor3A_120 = vector.broadcast %xor3A_119 : i32 to vector<512x256xi32>
    %xor3A_121 = arith.xori %select_n3A_105, %xor3A_120 : vector<512x256xi32>
    %slice3A_122 = vector.extract_strided_slice %xor3A_121 {offsets = [0, 0], sizes = [512, 128], strides = [1, 1]} : vector<512x256xi32> to vector<512x128xi32>
    %slice3A_123 = vector.extract_strided_slice %xor3A_121 {offsets = [0, 128], sizes = [512, 128], strides = [1, 1]} : vector<512x256xi32> to vector<512x128xi32>
    %min3A_124 = arith.minsi %slice3A_122, %slice3A_123 : vector<512x128xi32>
    %reduce_min3A_125 = arith.constant dense<2147483647> : vector<512xi32>
    %reduce_min3A_126 = vector.multi_reduction <minsi>, %min3A_124, %reduce_min3A_125 [1] : vector<512x128xi32> to vector<512xi32>
    %broadcast_in_dim3A_127 = vector.shape_cast %reduce_min3A_126 : vector<512xi32> to vector<512x1xi32>
    %lt3A_128 = arith.constant 8 : i32
    %lt3A_129 = vector.broadcast %lt3A_128 : i32 to vector<512x1xi32>
    %lt3A_130 = arith.cmpi slt, %broadcast_in_dim3A_127, %lt3A_129 : vector<512x1xi32>
    %jit3A_131 = arith.constant 0 : i32
    %broadcast_in_dim3A_132 = vector.broadcast %jit3A_131 : i32 to vector<512x1xi32>
    %select_n3A_133 = arith.select %lt3A_130, %broadcast_in_dim3A_127, %broadcast_in_dim3A_132 : vector<512x1xi1>, vector<512x1xi32>
    %xor3A_134 = arith.constant 16 : i32
    %xor3A_135 = vector.broadcast %xor3A_134 : i32 to vector<512x256xi32>
    %xor3A_136 = arith.xori %select_n3A_105, %xor3A_135 : vector<512x256xi32>
    %slice3A_137 = vector.extract_strided_slice %xor3A_136 {offsets = [0, 0], sizes = [512, 128], strides = [1, 1]} : vector<512x256xi32> to vector<512x128xi32>
    %slice3A_138 = vector.extract_strided_slice %xor3A_136 {offsets = [0, 128], sizes = [512, 128], strides = [1, 1]} : vector<512x256xi32> to vector<512x128xi32>
    %min3A_139 = arith.minsi %slice3A_137, %slice3A_138 : vector<512x128xi32>
    %reduce_min3A_140 = arith.constant dense<2147483647> : vector<512xi32>
    %reduce_min3A_141 = vector.multi_reduction <minsi>, %min3A_139, %reduce_min3A_140 [1] : vector<512x128xi32> to vector<512xi32>
    %broadcast_in_dim3A_142 = vector.shape_cast %reduce_min3A_141 : vector<512xi32> to vector<512x1xi32>
    %lt3A_143 = arith.constant 8 : i32
    %lt3A_144 = vector.broadcast %lt3A_143 : i32 to vector<512x1xi32>
    %lt3A_145 = arith.cmpi slt, %broadcast_in_dim3A_142, %lt3A_144 : vector<512x1xi32>
    %jit3A_146 = arith.constant 0 : i32
    %broadcast_in_dim3A_147 = vector.broadcast %jit3A_146 : i32 to vector<512x1xi32>
    %select_n3A_148 = arith.select %lt3A_145, %broadcast_in_dim3A_142, %broadcast_in_dim3A_147 : vector<512x1xi1>, vector<512x1xi32>
    %mul3A_149 = arith.constant 2 : i32
    %mul3A_150 = vector.broadcast %mul3A_149 : i32 to vector<512x1xi32>
    %mul3A_151 = arith.muli %mul3A_150, %select_n3A_133 : vector<512x1xi32>
    %add3A_152 = arith.addi %select_n3A_118, %mul3A_151 : vector<512x1xi32>
    %mul3A_153 = arith.constant 3 : i32
    %mul3A_154 = vector.broadcast %mul3A_153 : i32 to vector<512x1xi32>
    %mul3A_155 = arith.muli %mul3A_154, %select_n3A_148 : vector<512x1xi32>
    %add3A_156 = arith.addi %add3A_152, %mul3A_155 : vector<512x1xi32>
    %and3A_157 = arith.constant 7 : i32
    %and3A_158 = vector.broadcast %and3A_157 : i32 to vector<512x1xi32>
    %and3A_159 = arith.andi %add3A_156, %and3A_158 : vector<512x1xi32>
    %add3A_160 = arith.constant 1 : i32
    %add3A_161 = vector.broadcast %add3A_160 : i32 to vector<512x1xi32>
    %add3A_162 = arith.addi %select_n3A_133, %add3A_161 : vector<512x1xi32>
    %mul3A_163 = arith.muli %select_n3A_118, %add3A_162 : vector<512x1xi32>
    %xor3A_164 = arith.xori %select_n3A_118, %select_n3A_133 : vector<512x1xi32>
    %add3A_165 = arith.constant 1 : i32
    %add3A_166 = vector.broadcast %add3A_165 : i32 to vector<512x1xi32>
    %add3A_167 = arith.addi %xor3A_164, %add3A_166 : vector<512x1xi32>
    %mul3A_168 = arith.muli %select_n3A_148, %add3A_167 : vector<512x1xi32>
    %add3A_169 = arith.addi %mul3A_163, %mul3A_168 : vector<512x1xi32>
    %and3A_170 = arith.constant 7 : i32
    %and3A_171 = vector.broadcast %and3A_170 : i32 to vector<512x1xi32>
    %and3A_172 = arith.andi %add3A_169, %and3A_171 : vector<512x1xi32>
    %eq3A_173 = arith.constant 0 : i32
    %eq3A_174 = vector.broadcast %eq3A_173 : i32 to vector<512x1xi32>
    %eq3A_175 = arith.cmpi eq, %min3A_69, %eq3A_174 : vector<512x1xi32>
    %eq3A_176 = arith.constant 1 : i32
    %eq3A_177 = vector.broadcast %eq3A_176 : i32 to vector<512x1xi32>
    %eq3A_178 = arith.cmpi eq, %min3A_69, %eq3A_177 : vector<512x1xi32>
    %select_n3A_179 = arith.select %eq3A_178, %and3A_159, %and3A_172 : vector<512x1xi1>, vector<512x1xi32>
    %select_n3A_180 = arith.select %eq3A_175, %select_n3A_118, %select_n3A_179 : vector<512x1xi1>, vector<512x1xi32>
    %iota3A_181 = tpu.iota {dimensions = array<i32: 1>} : vector<512x8xi32>
    %eq3A_182 = vector.broadcast %select_n3A_180 : vector<512x1xi32> to vector<512x8xi32>
    %eq3A_183 = arith.cmpi eq, %iota3A_181, %eq3A_182 : vector<512x8xi32>
    %jit3A_184 = arith.constant 1.200000e+01 : f32
    %jit3A_185 = arith.constant 0.000000e+00 : f32
    %broadcast_in_dim3A_186 = vector.broadcast %jit3A_184 : f32 to vector<512x8xf32>
    %broadcast_in_dim3A_187 = vector.broadcast %jit3A_185 : f32 to vector<512x8xf32>
    %select_n3A_188 = arith.select %eq3A_183, %broadcast_in_dim3A_186, %broadcast_in_dim3A_187 : vector<512x8xi1>, vector<512x8xf32>
    %mul3A_189 = arith.constant 64 : i32
    %mul3A_190 = vector.broadcast %mul3A_189 : i32 to vector<512x1xi32>
    %mul3A_191 = arith.muli %select_n3A_118, %mul3A_190 : vector<512x1xi32>
    %mul3A_192 = arith.constant 8 : i32
    %mul3A_193 = vector.broadcast %mul3A_192 : i32 to vector<512x1xi32>
    %mul3A_194 = arith.muli %select_n3A_133, %mul3A_193 : vector<512x1xi32>
    %add3A_195 = arith.addi %mul3A_191, %mul3A_194 : vector<512x1xi32>
    %add3A_196 = arith.addi %add3A_195, %select_n3A_148 : vector<512x1xi32>
    %iota3A_197 = tpu.iota {dimensions = array<i32: 1>} : vector<512x512xi32>
    %eq3A_198 = vector.broadcast %add3A_196 : vector<512x1xi32> to vector<512x512xi32>
    %eq3A_199 = arith.cmpi eq, %iota3A_197, %eq3A_198 : vector<512x512xi32>
    %convert_element_type3A = arith.extui %eq3A_199 : vector<512x512xi1> to vector<512x512xi32>
    %convert_element_type3A_200 = arith.sitofp %convert_element_type3A : vector<512x512xi32> to vector<512x512xf32>
    %get3A_201 = arith.constant 0 : index
    %get3A_202 = arith.constant 0 : index
    %get3A_203 = vector.load %arg2[%get3A_201, %get3A_202] : memref<512x8xf32, #tpu.memory_space<vmem>>, vector<512x8xf32>
    %dot_general3A = arith.constant dense<0.000000e+00> : vector<512x8xf32>
    %dot_general3A_204 = tpu.matmul %convert_element_type3A_200, %get3A_203, %dot_general3A {dimension_numbers = #tpu.dot_dimension_numbers<[1], [0], [0], [1], [0, 0, 1, 1], [], []>, transpose_lhs_hint = false} : vector<512x512xf32>, vector<512x8xf32>, vector<512x8xf32> -> vector<512x8xf32>
    %eq3A_205 = arith.constant 3 : i32
    %eq3A_206 = vector.broadcast %eq3A_205 : i32 to vector<512x1xi32>
    %eq3A_207 = arith.cmpi eq, %min3A_69, %eq3A_206 : vector<512x1xi32>
    %broadcast_in_dim3A_208 = vector.shape_cast %eq3A_207 : vector<512x1xi1> to vector<512x1xi1>
    %broadcast_in_dim3A_209 = vector.broadcast %broadcast_in_dim3A_208 : vector<512x1xi1> to vector<512x8xi1>
    %select_n3A_210 = arith.select %broadcast_in_dim3A_209, %dot_general3A_204, %select_n3A_188 : vector<512x8xi1>, vector<512x8xf32>
    %swap3A = arith.constant 0 : index
    %swap3A_211 = arith.constant 0 : index
    %swap3A_212 = vector.load %arg3[%swap3A, %swap3A_211] : memref<512x8xf32, #tpu.memory_space<vmem>>, vector<512x8xf32>
    tpu.vector_store %arg3[%swap3A, %swap3A_211], %select_n3A_210 {strides = array<i32>} : memref<512x8xf32, #tpu.memory_space<vmem>>, vector<512x8xf32>,
    return
  }
  func.func @transform_0(%arg0: i32) -> (i32, i32) {
    %c0_i32 = arith.constant 0 : i32
    %c0_i32_0 = arith.constant 0 : i32
    return %arg0, %c0_i32 : i32, i32
  }
  func.func @transform_1(%arg0: i32) -> (i32, i32) {
    %c0_i32 = arith.constant 0 : i32
    %c0_i32_0 = arith.constant 0 : i32
    %c0_i32_1 = arith.constant 0 : i32
    return %c0_i32, %c0_i32_0 : i32, i32
  }
  func.func @transform_2(%arg0: i32) -> (i32, i32) {
    %c0_i32 = arith.constant 0 : i32
    %c0_i32_0 = arith.constant 0 : i32
    return %arg0, %c0_i32 : i32, i32
  }
}

</mosaic_0001>

<sc_bundles>
// kernel: kernel.4.cloned.1.call-start
scs
__scs_entry_jumppad:
0x0: {  	(pc) =	sbr.rel $0x88, $3  }
0x1: {  	(tag) =	ssettag $0x0;
	lr =	simm.s32 $0x1  }
0x2: {  	[smem:$0x3F9F] =	sst lr;
	_ =	strace $0xD0000000  }
0x3: {  	_ = 	snop  }
0x4: {  	_ = 	snop  }
0x5: {  	_ = 	snop  }
0x6: {  	_ = 	snop  }
0x7: {  	_ = 	snop  }
__scs_overlays_trampoline_lowered:
0x8: {  	[smem:$0x3FAE] =	sst s0  }
0x9: {  	[smem:$0x3FAF] =	sst s1  }
0xa: {  	[smem:$0x3FB0] =	sst s2  }
0xb: {  	[smem:$0x3FB1] =	sst s3  }
0xc: {  	[smem:$0x3FB2] =	sst s4  }
0xd: {  	[smem:$0x3FB3] =	sst s5  }
0xe: {  	[smem:$0x3FB4] =	sst s6  }
0xf: {  	[smem:$0x3FB5] =	sst s7  }
0x10: {  	[smem:$0x3FB6] =	sst s8  }
0x11: {  	[smem:$0x3FB7] =	sst s9;
	s0 =	simm.s32 @!p0 $0x0  }
0x12: {  	s1 =	sld [smem:$0x3F9D];
	s0 =	simm.s32 @p0 $0x1  }
0x13: {  	[smem:$0x3FB8] =	sst s0;
	s0 =	simm.s32 @!p1 $0x0  }
0x14: {  	s2 =	sld [smem:$0x3F9C];
	s0 =	simm.s32 @p1 $0x1  }
0x15: {  	[smem:$0x3FB9] =	sst s0;
	s0 =	simm.s32 @!p2 $0x0  }
0x16: {  	s3 =	sld [smem:$0x3FDB];
	s0 =	simm.s32 @p2 $0x1  }
0x17: {  	s4 =	simm.s32 $0x1BF5;
	[smem:$0x3FBB] =	sst s0  }
0x18: {  	s0 =	sld [smem:$0x3F9E];
	_ =	swait.ge [sflag:s4], $0x0  }
0x19: {  	s7 =	sld [smem:$0x3F9F]  }
0x1a: {  	s8 =	sadd.s32 $0xFFFFE003, lr  }
0x1b: {  	s9 =	sadd.s32 $0xFFFFFEF7, lr;
	s5 =	simm.s32 $0xFFFFFFFF;
	p2 =	slt.u32 s8, $0xFFFFF086  }
0x1c: {  	p1 =	slt.u32 s9, $0xF7A;
	s5 =	simm.s32 @!p2 $0x0  }
0x1d: {  	s5 =	simm.s32 @p1 $0x1;
	p0 =	seq.s32 s7, s2  }
0x1e: {  	s7 =	smul.u32 @!p0 $0xF7A, s2;
	p2 =	seq.s32 @!p0 s5, $0x0  }
0x1f: {  	s9 =	smul.u32 $0xF7A, s1;
	s8 =	simm.s32 @!p0 $0x1BF5;
	p2 =	por !p2, p0  }
0x20: {  	[sflag:s8] =	ssyncset.s32 @!p0 $0xFFFFF086;
	s6 =	sadd.s32 @!p0 s3, s7;
	s7 =	simm.s32 @!p0 $0x108  }
0x21: {  	s3 =	sadd.s32 s3, s9;
	s6 =	sadd.s32 @!p0 $0x88, s6;
	s7 =	simm.s32 @p2 $0x1082  }
0x22: {  	[simem:s7], [sflag:s8] =	dma.local @!p0 [hbm:s6], $0xF7A  }
0x23: {  	s9 =	sor.u32 $0xD0000000, s2;
	s6 =	simm.s32 $0x108;
	_ =	swait.ge @!p0 [sflag:s8], $0x0  }
0x24: {  	s3 =	sadd.s32 $0x88, s3;
	s6 =	simm.s32 @!p1 $0x1082;
	[sflag:s4] =	ssyncset.s32 $0xFFFFF086  }
0x25: {  	[simem:s6], [sflag:s4] =	dma.local [hbm:s3], $0xF7A  }
0x26: {  	[smem:$0x3F9F] =	sst s1;
	(tag) =	ssettag s2;
	_ =	strace s9  }
0x27: {  	s1 =	sld [smem:$0x3FAF]  }
0x28: {  	s2 =	sld [smem:$0x3FB0]  }
0x29: {  	s4 =	sld [smem:$0x3FB2]  }
0x2a: {  	p0 =	seq.s32 s5, $0x0;
	s5 =	sld [smem:$0x3FB3]  }
0x2b: {  	s6 =	sld [smem:$0x3FB4]  }
0x2c: {  	s7 =	sld [smem:$0x3FB5]  }
0x2d: {  	s3 =	simm.s32 $0x108;
	s8 =	sld [smem:$0x3FB6]  }
0x2e: {  	s3 =	simm.s32 @!p0 $0x1082;
	s9 =	sld [smem:$0x3FB7]  }
0x2f: {  	lr =	sadd.s32 s0, s3;
	s0 =	sld [smem:$0x3FAE]  }
0x30: {  	s3 =	sld [smem:$0x3FB1]  }
0x31: {  	[smem:$0x3FBA] =	sst s10  }
0x32: {  	s10 =	sld [smem:$0x3FB8];
	_ =	sdelay $0x3  }
0x33: {  	p0 =	seq.s32 s10, $0x1;
	s10 =	sld [smem:$0x3FBA];
	_ =	sdelay $0x3  }
0x34: {  	[smem:$0x3FBA] =	sst s10  }
0x35: {  	s10 =	sld [smem:$0x3FB9];
	_ =	sdelay $0x3  }
0x36: {  	p1 =	seq.s32 s10, $0x1;
	s10 =	sld [smem:$0x3FBA];
	_ =	sdelay $0x3  }
0x37: {  	[smem:$0x3FBA] =	sst s10  }
0x38: {  	s10 =	sld [smem:$0x3FBB]  }
0x39: {  	_ = 	snop;
	(pc) =	sbr.ind lr, $3  }
0x3a: {  	_ = 	snop  }
0x3b: {  	_ = 	snop  }
0x3c: {  	p2 =	seq.s32 s10, $0x1;
	s10 =	sld [smem:$0x3FBA]  }
0x3d: {  	_ =	shalt  }
0x3e: {  	_ =	shalt  }
0x3f: {  	_ =	shalt  }
0x40: {  	_ =	shalt  }
0x41: {  	_ =	shalt  }
0x42: {  	_ =	shalt  }
0x43: {  	_ =	shalt  }
0x44: {  	_ =	shalt  }
0x45: {  	_ =	shalt  }
0x46: {  	_ =	shalt  }
0x47: {  	_ =	shalt  }
0x48: {  	_ =	shalt  }
0x49: {  	_ =	shalt  }
0x4a: {  	_ =	shalt  }
0x4b: {  	_ =	shalt  }
0x4c: {  	_ =	shalt  }
0x4d: {  	_ =	shalt  }
0x4e: {  	_ =	shalt  }
0x4f: {  	_ =	shalt  }
0x50: {  	_ =	shalt  }
0x51: {  	_ =	shalt  }
0x52: {  	_ =	shalt  }
0x53: {  	_ =	shalt  }
0x54: {  	_ =	shalt  }
0x55: {  	_ =	shalt  }
0x56: {  	_ =	shalt  }
0x57: {  	_ =	shalt  }
0x58: {  	_ =	shalt  }
0x59: {  	_ =	shalt  }
0x5a: {  	_ =	shalt  }
0x5b: {  	_ =	shalt  }
0x5c: {  	_ =	shalt  }
0x5d: {  	_ =	shalt  }
0x5e: {  	_ =	shalt  }
0x5f: {  	_ =	shalt  }
0x60: {  	_ =	shalt  }
0x61: {  	_ =	shalt  }
0x62: {  	_ =	shalt  }
0x63: {  	_ =	shalt  }
0x64: {  	_ =	shalt  }
0x65: {  	_ =	shalt  }
0x66: {  	_ =	shalt  }
0x67: {  	_ =	shalt  }
0x68: {  	_ =	shalt  }
0x69: {  	_ =	shalt  }
0x6a: {  	_ =	shalt  }
0x6b: {  	_ =	shalt  }
0x6c: {  	_ =	shalt  }
0x6d: {  	_ =	shalt  }
0x6e: {  	_ =	shalt  }
0x6f: {  	_ =	shalt  }
0x70: {  	_ =	shalt  }
0x71: {  	_ =	shalt  }
0x72: {  	_ =	shalt  }
0x73: {  	_ =	shalt  }
0x74: {  	_ =	shalt  }
0x75: {  	_ =	shalt  }
0x76: {  	_ =	shalt  }
0x77: {  	_ =	shalt  }
0x78: {  	_ =	shalt  }
0x79: {  	_ =	shalt  }
0x7a: {  	_ =	shalt  }
0x7b: {  	_ =	shalt  }
0x7c: {  	_ =	shalt  }
0x7d: {  	_ =	shalt  }
0x7e: {  	_ =	shalt  }
0x7f: {  	_ =	shalt  }
0x80: {  	_ =	shalt  }
0x81: {  	_ =	shalt  }
0x82: {  	_ =	shalt  }
0x83: {  	_ =	shalt  }
0x84: {  	_ =	shalt  }
0x85: {  	_ =	shalt  }
0x86: {  	_ =	shalt  }
0x87: {  	_ =	shalt  }
.Lfunc_end0:
.L_simem_size_0:
called_computation_lowered:
.L_overlay_start_0:
0x88: {  	s2 =	sld [smem:$0x3FD9]  }
0x89: {  	s3 =	sld [smem:$0x3FFE];
	_ =	sdelay $0x1  }
0x8a: {  	s1 =	srdreg.scid  }
0x8b: {  	s0 =	sand.u32 $0x1, s1  }
0x8c: {  	s17 =	sshll.u32 s0, $0xA;
	s2 =	sadd.s32 s3, s2  }
0x8d: {  	s2 =	sadd.s32 s2, s17  }
0x8e: {  	[smem:$0x3FC6] =	sst s2  }
0x8f: {  	_ = 	snop  }
0x90: {  	s2 =	sld [smem:$0x3FC9]  }
0x91: {  	s18 =	sld [smem:$0x3FD0];
	(tm) =	ssettm $0x1  }
0x92: {  	s4 =	sld [smem:$0x3FFB];
	_ =	sdelay $0x3  }
0x93: {  	_ =	strace s4  }
0x94: {  	s4 =	sld [smem:$0x3FFC];
	_ =	sdelay $0x3  }
0x95: {  	_ =	strace s4  }
0x96: {  	s4 =	sld [smem:$0x3FFD];
	_ =	sdelay $0x3  }
0x97: {  	_ =	strace s4  }
0x98: {  	_ =	strace $0x8FFFFFFF  }
0x99: {  	s19 =	sld [smem:$0x3FDB];
	_ =	sdelay $0x1  }
0x9a: {  	s5 =	simm.s32 $_scs_section_size  }
0x9b: {  	s6 =	simm.s32 $_size__tile_overlayer_lowered;
	s7 =	simm.s32 $_tile_overlayer_lowered  }
0x9c: {  	s22 =	simm.s32 $0x1BFF;
	s21 =	sshll.u32 s7, $0x1;
	s4 =	sadd.s32 s5, s19  }
0x9d: {  	s8 =	simm.s32 $0x0;
	s20 =	sshll.u32 s6, $0x1;
	s6 =	sadd.s32 s21, s4  }
0x9e: {  	[timem:s8], [sflag:s22] =	dma.local [hbm:s6], s20  }
0x9f: {  	_ =	swait.ge [sflag:s22], s20  }
0xa0: {  	s5 =	ssub.s32 $0x0, s20;
	[sflag:s22] =	ssyncset.done $0x0  }
0xa1: {  	[sflag:s22] =	ssyncadd.s32 s5;
	_ =	sdelay $0x1  }
0xa2: {  	s23 =	simm.s32 $0x1B8B  }
0xa3: {  	_ =	swait.ge [sflag:s23], $0x1  }
0xa4: {  	[sflag:s23] =	ssyncset.done $0x0  }
0xa5: {  	s25 =	simm.s32 $0x1B8E;
	s24 =	sld [smem:$0x3FFE];
	[sflag:s23] =	ssyncadd.s32 $0xFFFFFFFF  }
0xa6: {  	s26 =	simm.s32 $execute0_lowered;
	[smem:$0x3FD2] =	sst s25  }
0xa7: {  	s6 =	sshll.u32 s26, $0x1;
	_ =	strace $0x80000046;
	[dreg:$0x1] =	wrdreg $0xFFFFFFFF  }
0xa8: {  	s28 =	simm.s32 $_size_execute0_lowered;
	s4 =	sadd.s32 s4, s6;
	[dreg:$0x0] =	wrdreg $0x0  }
0xa9: {  	s6 =	sshll.u32 s28, $0x1;
	[dreg:$0x2] =	wrdreg s4  }
0xaa: {  	[dreg:$0x3] =	wrdreg s6  }
0xab: {  	[dreg:$0x4] =	wrdreg $0xC0  }
0xac: {  	_ =	task [dreg:s8], $0x5FFFF  }
0xad: {  	[dreg:$0x1] =	wrdreg $0xFFFFFFFF  }
0xae: {  	[dreg:$0x0] =	wrdreg $0x60  }
0xaf: {  	[dreg:$0x2] =	wrdreg s2  }
0xb0: {  	[dreg:$0x3] =	wrdreg s18  }
0xb1: {  	[dreg:$0x4] =	wrdreg s24  }
0xb2: {  	[dreg:$0x5] =	wrdreg $0x9  }
0xb3: {  	_ =	task.clear_ibuf [dreg:s8], $0x6FFFF;
	_ =	strace $0x90000046  }
0xb4: {  	s29 =	simm.s32 $0x9;
	_ =	strace $0x80000048  }
0xb5: {  	_ =	swait.ge [sflag:s29], $0x1  }
0xb6: {  	[sflag:s29] =	ssyncadd.s32 $0xFFFFFFFF  }
0xb7: {  	_ =	strace $0x90000048  }
0xb8: {  	_ =	sfence  }
0xb9: {  	s30 =	sld [smem:$0x0];
	_ =	sdelay $0x2  }
0xba: {  	s31 =	sshll.u32 s1, $0xD;
	s1 =	sshrl.u32 s1, $0x2  }
0xbb: {  	s3 =	sand.u32 $0x4000, s31;
	s1 =	sadd.s32 s1, s30  }
0xbc: {  	s0 =	sor.u32 s3, s0;
	s1 =	sshll.u32 s1, $0x11  }
0xbd: {  	s0 =	sor.u32 s1, s0  }
0xbe: {  	s0 =	sadd.s32 $0x8F2B, s0  }
0xbf: {  	[sflag:s0] =	ssyncadd.remote.s32 $0x1  }
0xc0: {  	_ =	sfence.sel $0xFFFF  }
0xc1: {  	[dreg:$0x0] =	wrdreg $0xFFFFFFFF;
	(pc) =	sbr.abs _section_cstart, $3  }
0xc2: {  	[dreg:$0x1] =	wrdreg $0xFFFFFFFF  }
0xc3: {  	_ =	task.clear_ibuf [dreg:s8], $0x2FFFF;
	_ =	strace $0x9FFFFFFF  }
0xc4: {  	(tm) =	ssettm $0x7FFFFFFF  }
0xc5: {  	_ =	shalt  }
tec
execute0_lowered:
.L_overlay_start_1:
0x0: {  	(tag) =	ssettag $0x1  }
0x1: {  	v0 =	vimm.s32 $0xFFF  }
0x2: {  	vm1 =	vcmask $0x300;
	vm2 =	vcmask $0x704;
	vm3 =	vcmask $0xB08  }
0x3: {  	vm4 =	vcmask $0xF0C;
	vm5 =	vcmask $0x1310;
	vm6 =	vcmask $0x1714  }
0x4: {  	vm7 =	vcmask $0x1B18;
	vm8 =	vcmask $0x1F1C;
	vm0 =	vcmask $0x2320  }
0x5: {  	v1 =	vimm.s32 $0xB81;
	v2 =	vimm.s32 $0xB80;
	v0 =	vsel vm1, $0x47F, v0  }
0x6: {  	vm9 =	vcmask $0x2724;
	vm11 =	vcmask $0x2B28;
	v0 =	vsel vm2, $0x4FF, v0  }
0x7: {  	vm12 =	vcmask $0x2F2C;
	vm13 =	vcmask $0x3330;
	v0 =	vsel vm3, $0x57F, v0  }
0x8: {  	vm14 =	vcmask $0x3734;
	v1 =	vsel vm1, $0x1, v1;
	v0 =	vsel vm4, $0x5FF, v0  }
0x9: {  	v2 =	vsel vm1, $0x0, v2;
	v1 =	vsel vm2, $0x81, v1;
	v0 =	vsel vm5, $0x67F, v0  }
0xa: {  	v2 =	vsel vm2, $0x80, v2;
	v1 =	vsel vm3, $0x101, v1;
	v0 =	vsel vm6, $0x6FF, v0  }
0xb: {  	v2 =	vsel vm3, $0x100, v2;
	v1 =	vsel vm4, $0x181, v1;
	v0 =	vsel vm7, $0x77F, v0  }
0xc: {  	v2 =	vsel vm4, $0x180, v2;
	v1 =	vsel vm5, $0x201, v1;
	v0 =	vsel vm8, $0x7FF, v0  }
0xd: {  	v2 =	vsel vm5, $0x200, v2;
	v1 =	vsel vm6, $0x281, v1;
	v0 =	vsel vm0, $0xC7F, v0  }
0xe: {  	v2 =	vsel vm6, $0x280, v2;
	v1 =	vsel vm7, $0x301, v1;
	v0 =	vsel vm9, $0xCFF, v0  }
0xf: {  	v2 =	vsel vm7, $0x300, v2;
	v1 =	vsel vm8, $0x381, v1;
	v0 =	vsel vm11, $0xD7F, v0  }
0x10: {  	s6 =	rddreg [dreg:$0x0];
	v2 =	vsel vm8, $0x380, v2;
	v1 =	vsel vm0, $0x801, v1;
	v0 =	vsel vm12, $0xDFF, v0  }
0x11: {  	s0 =	rddreg [dreg:$0x1];
	v2 =	vsel vm0, $0x800, v2;
	v1 =	vsel vm9, $0x881, v1;
	v0 =	vsel vm13, $0xE7F, v0  }
0x12: {  	s4 =	rddreg [dreg:$0x2];
	v3 =	vsel vm14, $0xEFF, v0;
	v0 =	vsel vm11, $0x901, v1;
	v1 =	vsel vm9, $0x880, v2  }
0x13: {  	s1 =	rddreg [dreg:$0x3];
	s5 =	srdreg.scid;
	vm15 =	vcmask $0x3B38;
	s3 =	simm.s32 $0x0;
	v0 =	vsel vm12, $0x981, v0;
	v1 =	vsel vm11, $0x900, v1  }
0x14: {  	s2 =	stileid.u32;
	s10 =	simm.s32 $0x2000;
	s11 =	simm.s32 $0x0;
	v2 =	vlaneseq.u32;
	v0 =	vsel vm13, $0xA01, v0;
	v1 =	vsel vm12, $0x980, v1  }
0x15: {  	s15 =	simm.s32 $0x0;
	s5 =	sand.u32 $0x1, s5;
	[smem:$0x7FF] =	sst s3;
	v4 =	vsel vm14, $0xA81, v0;
	v5 =	vsel vm13, $0xA00, v1;
	v0 =	vmul.u32 $0x80, v2  }
0x16: {  	s8 =	sshll.u32 s2, $0x1;
	s4 =	sadd.s32 $0x800, s4;
	s7 =	ssub.s32 $0x2, s5;
	v1 =	vsel vm15, $0xF7F, v3;
	v2 =	vsel vm15, $0xB01, v4;
	v3 =	vsel vm14, $0xA80, v5  }
0x17: {  	s6 =	sadd.s32 $0x54000, s6;
	_ =	strace $0x80000047;
	s9 =	sshrl.u32 s7, $0x1;
	v4 =	vimm.f32 $0.0e+00;
	v3 =	vsel vm15, $0xB00, v3;
	v5 =	vor.u32 $0x1, v0  }
0x18: {  	s5 =	sor.u32 s5, s8;
	s8 =	simm.s32 $0x1000;
	s7 =	ssub.s32 s7, s9;
	v6 =	vor.u32 $0x2, v0;
	v7 =	vor.u32 $0x3, v0;
	v8 =	vor.u32 $0x4, v0  }
0x19: {  	s5 =	smul.u32 $0xB0, s5;
	s9 =	simm.s32 $0x1;
	s7 =	smax.u32 s7, $0x1;
	v9 =	vor.u32 $0x5, v0;
	v10 =	vor.u32 $0x6, v0;
	v11 =	vor.u32 $0x7, v0  }
.LBB2_1:
0x1a: {  	[tilespmem:s8], [sflag:$0x1] =	stream.linear.gather [hbm4b:s0+s3], $0x1000, $0x38;
	[tilespmem:$0x2800] =	vst v63  }
0x1b: {  	_ =	swait.ge [sflag:s9], $0x1000  }
0x1c: {  	[sflag:s9] =	ssyncset.done $0x0  }
0x1d: {  	s12 =	simm.s32 $0x0;
	[sflag:s9] =	ssyncadd.s32 $0xFFFFF000  }
.LBB2_2:
0x1e: {  	s13 =	sshll.u32 s12, $0x4  }
0x1f: {  	s13 =	sadd.s32 s5, s13  }
0x20: {  	s14 =	sshll.u32 s13, $0x5  }
0x21: {  	v12 =	vmov s15;
	s14 =	sadd.s32 s14, s6  }
0x22: {  	v13 =	vshll.u32 v12, $0x3;
	[tilespmem:s15], [sflag:$0x1] =	stream.linear.gather [hbm4b:s14+s15], $0x1000, $0x38;
	[tilespmem:$0x2800] =	vst v63  }
0x23: {  	v12 =	vand.u32 $0x7F, v12;
	v13 =	vand.u32 $0x400, v13;
	_ =	swait.ge [sflag:s9], $0x1000  }
0x24: {  	v12 =	vor.u32 v13, v12;
	[sflag:s9] =	ssyncset.done $0x0  }
0x25: {  	v12 =	vor.u32 v3, v12;
	[sflag:s9] =	ssyncadd.s32 $0xFFFFF000  }
0x26: {  	v13 =	vld.idx.msk [tilespmem:v1+s15+$0x0], $0xffff;
	_ =	sdelay $0x3  }
0x27: {  	s30 =	simm.s32 $0x1;
	v14 =	vld.idx.msk [tilespmem:v12+s3+$0x0], $0xffff  }
0x28: {  	v15 =	vimm.s32 $0x0;
	v12 =	vadd.s32 $0xFFFFFFD2, v13;
	v13 =	vmov s30  }
0x29: {  	v19 =	vimm.s32 $0x18;
	vm0 =	vgt.s32 v12, $0x0;
	v16 =	vshll.u32 v13, $0x3  }
0x2a: {  	v17 =	vand.u32 $0x7F, v13;
	v12 =	vnsel vm0, $0x0, v12;
	v16 =	vand.u32 $0x400, v16  }
0x2b: {  	v18 =	vshll.u32 v15, $0x3;
	v13 =	vmin.u32 v12, $0x2;
	v12 =	vor.u32 v16, v17  }
0x2c: {  	v20 =	vadd.s32 $0xFFFFFFEA, v14;
	v16 =	vsub.s32 v14, v18;
	v17 =	vor.u32 v3, v12  }
0x2d: {  	s31 =	simm.s32 $0x2;
	v12 =	vadd.s32 $0x2, v16;
	v16 =	vadd.s32 $0xFFFFFFFD, v15;
	v15 =	vimm.s32 $0xFFFFFFFF  }
0x2e: {  	vm15 =	vlt.u32 v12, $0x8;
	vm1 =	vlt.u32 v16, $0x3;
	v16 =	vmov s31  }
0x2f: {  	vm2 =	veq.s32 v15, v13;
	vm0 =	vmand vm15, vm1;
	v18 =	vshll.u32 v16, $0x3  }
0x30: {  	v12 =	vld.idx.msk [tilespmem:v2+s15+$0x0], $0xffff;
	v22 =	vand.u32 $0x7F, v16;
	v16 =	vimm.s32 $0x18;
	vm0 =	vmand vm0, vm2  }
0x31: {  	s14 =	simm.s32 $0x3;
	v23 =	vand.u32 $0x400, v18;
	v18 =	vimm.s32 $0x18;
	v21 =	vnsel vm0, $0x18, v20;
	v20 =	vmovc v14;
	v17 =	vld.idx.msk [tilespmem:v17+s3+$0x0], $0xffff  }
.LBB2_3:
0x32: {  	p0 =	sne.s32 s14, $0xFF;
	v22 =	vor.u32 v23, v22;
	v23 =	vxor.u32 $0x8, v21;
	v24 =	vxor.u32 $0x10, v21  }
0x33: {  	vm0 =	vlt.s32 v19, v21;
	vm1 =	vlt.s32 v18, v23;
	vm2 =	vlt.s32 v16, v24  }
0x34: {  	v19 =	vsel vm0, v19, v21;
	v18 =	vsel vm1, v18, v23;
	v16 =	vsel vm2, v16, v24  }
0x35: {  	v21 =	vor.u32 v3, v22;
	v22 =	vshll.u32 v14, $0x3  }
0x36: {  	v23 =	vadd.s32 $0xFFFFFFD2, v20;
	v22 =	vsub.s32 v17, v22;
	v20 =	vmov v17  }
.Ltmp0:
0x37: {  	v24 =	vadd.s32 $0xFFFFFFFD, v14;
	vm0 =	vlt.u32 v23, $0x3;
	v14 =	vmovc v17;
	v22 =	vadd.s32 $0x2, v22;
	(pc) =	sbr.rel @p0 .LBB2_3-.Ltmp0, $4  }
0x38: {  	vm2 =	vlt.u32 v24, $0x3;
	v15 =	vsel vm0, v23, v15;
	vm1 =	vlt.u32 v22, $0x8  }
0x39: {  	v22 =	vmov s14;
	vm0 =	veq.s32 v15, v13;
	vm1 =	vmand vm1, vm2  }
0x3a: {  	v23 =	vshll.u32 v22, $0x3;
	vm0 =	vmand vm1, vm0;
	v17 =	vld.idx.msk [tilespmem:v21+s3+$0x0], $0xffff;
	v21 =	vadd.s32 $0xFFFFFFEA, v20  }
0x3b: {  	s14 =	sadd.s32 $0x1, s14;
	v22 =	vand.u32 $0x7F, v22;
	v23 =	vand.u32 $0x400, v23;
	v21 =	vnsel vm0, $0x18, v21  }
0x3c: {  	v22 =	vor.u32 v23, v22  }
0x3d: {  	v22 =	vor.u32 v3, v22;
	_ =	sdelay $0x1  }
0x3e: {  	v28 =	vxor.u32 $0x8, v21;
	vm0 =	vlt.s32 v19, v21  }
0x3f: {  	v24 =	vxor.u32 $0x10, v21;
	v29 =	vshll.u32 v14, $0x3;
	v20 =	vadd.s32 $0xFFFFFFD2, v20  }
0x40: {  	v30 =	vadd.s32 $0xFFFFFFFD, v14;
	v19 =	vsel vm0, v19, v21;
	vm4 =	vlt.s32 v18, v28  }
0x41: {  	vm1 =	vlt.u32 v20, $0x3;
	vm5 =	vlt.u32 v30, $0x3;
	vm7 =	vlt.s32 v16, v24;
	v22 =	vld.idx.msk [tilespmem:v22+s3+$0x0], $0xffff  }
0x42: {  	v15 =	vsel vm1, v20, v15;
	v31 =	vsel vm4, v18, v28;
	v16 =	vsel vm7, v16, v24  }
0x43: {  	v21 =	vsub.s32 v17, v29;
	vm6 =	veq.s32 v15, v13;
	v32 =	vadd.s32 $0xFFFFFFEA, v17  }
0x44: {  	v33 =	vshll.u32 v17, $0x3;
	v35 =	vadd.s32 $0xFFFFFFD2, v17;
	v21 =	vadd.s32 $0x2, v21  }
0x45: {  	v36 =	vadd.s32 $0xFFFFFFFD, v17;
	vm8 =	vlt.u32 v35, $0x3;
	vm2 =	vlt.u32 v21, $0x8  }
0x46: {  	vm10 =	vlt.u32 v36, $0x3;
	vm1 =	vmand vm2, vm5;
	v20 =	vsub.s32 v22, v33  }
0x47: {  	v15 =	vsel vm8, v35, v15;
	vm0 =	vmand vm1, vm6;
	v20 =	vadd.s32 $0x2, v20  }
0x48: {  	v18 =	vnsel vm0, $0x18, v32;
	vm0 =	veq.s32 v15, v13;
	vm9 =	vlt.u32 v20, $0x8  }
0x49: {  	v34 =	vxor.u32 $0x8, v18;
	v37 =	vxor.u32 $0x10, v18;
	vm1 =	vmand vm9, vm10  }
0x4a: {  	vm11 =	vlt.s32 v19, v18;
	v38 =	vadd.s32 $0xFFFFFFEA, v22;
	vm0 =	vmand vm1, vm0  }
0x4b: {  	vm12 =	vlt.s32 v31, v34;
	vm13 =	vlt.s32 v16, v37;
	v13 =	vnsel vm0, $0x18, v38  }
0x4c: {  	v39 =	vsel vm11, v19, v18;
	v14 =	vsel vm12, v31, v34;
	v40 =	vxor.u32 $0x8, v13  }
0x4d: {  	v16 =	vsel vm13, v16, v37;
	vm14 =	vlt.s32 v39, v13;
	vm1 =	vlt.s32 v14, v40  }
0x4e: {  	v41 =	vxor.u32 $0x10, v13;
	v13 =	vsel vm14, v39, v13;
	v14 =	vsel vm1, v14, v40  }
0x4f: {  	vm15 =	vlt.s32 v16, v41;
	vm4 =	vlt.s32 v13, $0x8;
	vm5 =	vlt.s32 v14, $0x8  }
0x50: {  	v42 =	vsel vm15, v16, v41;
	v13 =	vnsel vm4, $0x0, v13;
	v14 =	vnsel vm5, $0x0, v14  }
0x51: {  	vm0 =	vlt.s32 v42, $0x8;
	v43 =	vshll.u32 v13, $0x6;
	v44 =	vshll.u32 v14, $0x3  }
0x52: {  	v15 =	vnsel vm0, $0x0, v42;
	v16 =	vadd.s32 v43, v44  }
0x53: {  	v16 =	vadd.s32 v15, v16  }
0x54: {  	v45 =	vxor.u32 v13, v14;
	v16 =	vshll.u32 v16, $0x3  }
0x55: {  	v46 =	vshll.u32 v14, $0x1;
	v14 =	vadd.s32 $0x1, v14;
	v17 =	vadd.s32 $0x1, v45  }
0x56: {  	v47 =	vmul.u32 $0x3, v15;
	v14 =	vmul.u32 v13, v14;
	v15 =	vmul.u32 v15, v17  }
0x57: {  	v12 =	vadd.s32 $0xFFFFFFCF, v12;
	v48 =	vadd.s32 v13, v46  }
0x58: {  	vm6 =	veq.s32 v12, $0x1;
	v17 =	vadd.s32 v47, v48;
	v14 =	vadd.s32 v14, v15  }
0x59: {  	v14 =	vsel vm6, v17, v14;
	v49 =	vld.idx.msk [tilespmem:v16+s8+$0x0], $0xffff  }
0x5a: {  	vm7 =	vlt.s32 v12, $0x1;
	v14 =	vand.u32 $0x7, v14  }
0x5b: {  	v50 =	vor.u32 $0x1, v16;
	v13 =	vsel vm7, v13, v14  }
0x5c: {  	vm0 =	veq.s32 v13, $0x0  }
0x5d: {  	vm8 =	vgt.s32 v12, $0x2;
	v51 =	vsel vm0, $0x41400000, v4  }
0x5e: {  	v12 =	vsel vm8, v49, v51  }
0x5f: {  	[tilespmem:v0+s10+$0x0] =	vst.idx.msk $0xffff, v12  }
0x60: {  	v12 =	vld.idx.msk [tilespmem:v50+s8+$0x0], $0xffff;
	_ =	sdelay $0x1  }
0x61: {  	v52 =	vor.u32 $0x2, v16  }
0x62: {  	vm9 =	veq.s32 v13, $0x1  }
0x63: {  	v53 =	vsel vm9, $0x41400000, v4  }
0x64: {  	v12 =	vsel vm8, v12, v53  }
0x65: {  	[tilespmem:v5+s10+$0x0] =	vst.idx.msk $0xffff, v12  }
0x66: {  	v12 =	vld.idx.msk [tilespmem:v52+s8+$0x0], $0xffff;
	_ =	sdelay $0x1  }
0x67: {  	v54 =	vor.u32 $0x3, v16  }
0x68: {  	vm10 =	veq.s32 v13, $0x2  }
0x69: {  	v55 =	vsel vm10, $0x41400000, v4  }
0x6a: {  	v12 =	vsel vm8, v12, v55  }
0x6b: {  	[tilespmem:v6+s10+$0x0] =	vst.idx.msk $0xffff, v12  }
0x6c: {  	v12 =	vld.idx.msk [tilespmem:v54+s8+$0x0], $0xffff;
	_ =	sdelay $0x1  }
0x6d: {  	v56 =	vor.u32 $0x4, v16  }
0x6e: {  	vm11 =	veq.s32 v13, $0x3  }
0x6f: {  	v57 =	vsel vm11, $0x41400000, v4  }
0x70: {  	v12 =	vsel vm8, v12, v57  }
0x71: {  	[tilespmem:v7+s10+$0x0] =	vst.idx.msk $0xffff, v12  }
0x72: {  	v12 =	vld.idx.msk [tilespmem:v56+s8+$0x0], $0xffff;
	_ =	sdelay $0x1  }
0x73: {  	v58 =	vor.u32 $0x5, v16  }
0x74: {  	vm12 =	veq.s32 v13, $0x4  }
0x75: {  	v59 =	vsel vm12, $0x41400000, v4  }
0x76: {  	v12 =	vsel vm8, v12, v59  }
0x77: {  	[tilespmem:v8+s10+$0x0] =	vst.idx.msk $0xffff, v12  }
0x78: {  	v12 =	vld.idx.msk [tilespmem:v58+s8+$0x0], $0xffff;
	_ =	sdelay $0x1  }
0x79: {  	v60 =	vor.u32 $0x6, v16  }
0x7a: {  	vm13 =	veq.s32 v13, $0x5  }
0x7b: {  	v61 =	vsel vm13, $0x41400000, v4  }
0x7c: {  	v12 =	vsel vm8, v12, v61  }
0x7d: {  	[tilespmem:v9+s10+$0x0] =	vst.idx.msk $0xffff, v12  }
0x7e: {  	v12 =	vld.idx.msk [tilespmem:v60+s8+$0x0], $0xffff;
	_ =	sdelay $0x1  }
0x7f: {  	v62 =	vor.u32 $0x7, v16  }
0x80: {  	vm14 =	veq.s32 v13, $0x6  }
0x81: {  	v63 =	vsel vm14, $0x41400000, v4  }
0x82: {  	v12 =	vsel vm8, v12, v63  }
0x83: {  	[tilespmem:v10+s10+$0x0] =	vst.idx.msk $0xffff, v12  }
0x84: {  	v12 =	vld.idx.msk [tilespmem:v62+s8+$0x0], $0xffff;
	_ =	sdelay $0x2  }
0x85: {  	vm15 =	veq.s32 v13, $0x7  }
0x86: {  	s12 =	sadd.s32 $0x1, s12;
	v13 =	vsel vm15, $0x41400000, v4  }
0x87: {  	s13 =	sshll.u32 s13, $0x4;
	p0 =	sne.s32 s12, $0xB;
	v12 =	vsel vm8, v12, v13  }
.Ltmp1:
0x88: {  	s13 =	sadd.s32 s4, s13;
	[tilespmem:v11+s10+$0x0] =	vst.idx.msk $0xffff, v12;
	(pc) =	sbr.rel @p0 .LBB2_2-.Ltmp1, $4  }
0x89: {  	[hbm4b:s13+s3] =	stream.linear.scatter [tilespmem:s10], [sflag:$0x1], $0x800, $0x38;
	[tilespmem:$0x2800] =	vst v63  }
0x8a: {  	_ =	swait.ge [sflag:s9], $0x800  }
0x8b: {  	[sflag:s9] =	ssyncset.done $0x0  }
0x8c: {  	[sflag:s9] =	ssyncadd.s32 $0xFFFFF800  }
0x8d: {  	s11 =	sadd.s32 $0x1, s11  }
0x8e: {  	p0 =	sne.s32 s11, s7  }
.Ltmp2:
0x8f: {  	_ = 	snop;
	(pc) =	sbr.rel @p0 .LBB2_1-.Ltmp2, $1  }
0x90: {  	_ =	sdelay $0x3  }
0x91: {  	_ =	sfence.sel $0x180000  }
0x92: {  	[bflag:$0x0] =	sbarrier.arrive $0xFFFF  }
0x93: {  	p0 =	sne.s32 s2, $0x0;
	_ =	strace $0x90000047  }
0x94: {  	s0 =	sadd.s32 @!p0 $0x100000, s1;
	[bflag:$0x2] =	sbarrier.arrive $0xFFFF  }
0x95: {  	[sflag:s0] =	ssyncadd.tile.s32 @!p0 $0x1;
	_ =	shalt  }
.Lfunc_end2:
_tile_overlayer_lowered:
.L_overlay_start_2:
0x96: {  	(tag) =	ssettag $0x2  }
0x97: {  	s0 =	rddreg [dreg:$0x0];
	s2 =	stileid.u32  }
0x98: {  	s1 =	rddreg [dreg:$0x1];
	p0 =	sne.s32 s2, $0x0  }
0x99: {  	s3 =	rddreg [dreg:$0x2];
	[bflag:$0x3] =	sbarrier.arrive $0xFFFF;
	s2 =	simm.s32 @!p0 $0x1C01  }
0x9a: {  	[timem:s3], [sflag:s2] =	dma.local @!p0 [hbm:s0], s1  }
0x9b: {  	s0 =	simm.s32 @!p0 $0x1  }
0x9c: {  	_ =	swait.ge @!p0 [sflag:s0], s1  }
0x9d: {  	s1 =	ssub.s32 @!p0 $0x0, s1;
	[sflag:s0] =	ssyncset.done @!p0 $0x0  }
0x9e: {  	[sflag:s0] =	ssyncadd.s32 @!p0 s1  }
0x9f: {  	[bflag:$0x3] =	sbarrier.arrive $0xFFFF  }
0xa0: {  	_ =	shalt  }

</sc_bundles>
